<compile_context>
chip_gen: v7x
topology: tpu7x:2x2x1
jax: 0.10.2.dev20260603
libtpu: 0.0.44.dev20260713+nightly
codegen_flags: <defaults>
</compile_context>

<pallas_src>
import functools

import jax
import jax.numpy as jnp
from jax import lax
from jax.experimental import pallas as pl
from jax.experimental.pallas import tpu as pltpu
from jax.experimental.pallas import tpu_sc as plsc

N = 10000
E = 320000
D = 128
NC = 2
NS = 16
NW = NC * NS
C = 80
EPW = E // NW
NCHUNK = EPW // C
IB = 25
NOB = NCHUNK // IB
NP = 10240
RPT = NP // NS
DGC = 16
TB = 2000

_mesh = plsc.VectorSubcoreMesh(core_axis_name="c", subcore_axis_name="s")


@functools.partial(
    pl.kernel,
    out_type=(
        jax.ShapeDtypeStruct((NC, NP, D), jnp.float32),
        jax.ShapeDtypeStruct((NC, NP, DGC), jnp.float32),
    ),
    mesh=_mesh,
    compiler_params=pltpu.CompilerParams(use_tc_tiling_on_sc=False),
    scratch_types=[
        pltpu.VMEM((IB, C), jnp.int32),
        pltpu.VMEM((IB, C), jnp.int32),
        pltpu.VMEM((C, D), jnp.float32),
        pltpu.VMEM((C, DGC), jnp.float32),
        pltpu.VMEM((160, DGC), jnp.float32),
        pltpu.VMEM_SHARED((NP, D), jnp.float32),
        pltpu.VMEM_SHARED((NP, DGC), jnp.float32),
        pltpu.SemaphoreType.DMA,
    ],
)
def _sc_segsum(src_hbm, dst_hbm, x_hbm, sum_out, deg_out,
               src_v, dst_v, rows_v, ones_v, zdeg_v,
               acc_sh, dgacc_sh, sem):
    cid = lax.axis_index("c")
    sid = lax.axis_index("s")
    zero16 = jnp.zeros((16,), jnp.float32)
    one16 = jnp.ones((16,), jnp.float32)

    def fill_ones(i, carry):
        ones_v[i, :] = one16
        return carry

    lax.fori_loop(0, C, fill_ones, 0)

    def zrow(i, carry):
        rows_v[i // 8, pl.ds((i % 8) * 16, 16)] = zero16
        return carry

    lax.fori_loop(0, C * 8, zrow, 0)

    def zdeg(i, carry):
        zdeg_v[i, :] = zero16
        return carry

    lax.fori_loop(0, 160, zdeg, 0)

    for k in range(RPT // C):
        pltpu.sync_copy(rows_v, acc_sh.at[pl.ds(sid * RPT + k * C, C)])
    for k in range(RPT // 160):
        pltpu.sync_copy(zdeg_v, dgacc_sh.at[pl.ds(sid * RPT + k * 160, 160)])
    plsc.subcore_barrier()

    def outer(ob, carry):
        pltpu.sync_copy(src_hbm.at[cid, sid, ob], src_v)
        pltpu.sync_copy(dst_hbm.at[cid, sid, ob], dst_v)

        def body(j, c2):
            pltpu.async_copy(x_hbm.at[src_v.at[j]], rows_v, sem).wait()
            pltpu.sync_copy(rows_v, acc_sh.at[dst_v.at[j]], add=True)
            pltpu.sync_copy(ones_v, dgacc_sh.at[dst_v.at[j]], add=True)
            return c2

        lax.fori_loop(0, IB, body, 0)
        return carry

    lax.fori_loop(0, NOB, outer, 0)

    plsc.subcore_barrier()

    pltpu.sync_copy(acc_sh.at[pl.ds(sid * RPT, RPT)],
                    sum_out.at[cid].at[pl.ds(sid * RPT, RPT)])
    pltpu.sync_copy(dgacc_sh.at[pl.ds(sid * RPT, RPT)],
                    deg_out.at[cid].at[pl.ds(sid * RPT, RPT)])


def _tc_combine(x_ref, p_ref, dg_ref, ws_ref, wn_ref, b_ref, o_ref):
    p = p_ref[0] + p_ref[1]
    deg = jnp.sum(dg_ref[...], axis=(0, 2)) * (1.0 / DGC)
    inv = 1.0 / jnp.maximum(deg, 1.0)
    h = p * inv[:, None]
    o_ref[...] = (
        jnp.dot(x_ref[...], ws_ref[...], preferred_element_type=jnp.float32)
        + jnp.dot(h, wn_ref[...], preferred_element_type=jnp.float32)
        + b_ref[0][None, :]
    )


@jax.jit
def kernel(x, edge_index, W_self, W_neigh, b):
    src = edge_index[0].reshape(NC, NS, NOB, IB, C)
    dst = edge_index[1].reshape(NC, NS, NOB, IB, C)
    sum_p, deg_p = _sc_segsum(src, dst, x)
    b8 = jnp.broadcast_to(b.astype(jnp.float32), (8, D))
    out = pl.pallas_call(
        _tc_combine,
        grid=(N // TB,),
        in_specs=[
            pl.BlockSpec((TB, D), lambda i: (i, 0)),
            pl.BlockSpec((NC, TB, D), lambda i: (0, i, 0)),
            pl.BlockSpec((NC, TB, DGC), lambda i: (0, i, 0)),
            pl.BlockSpec((D, D), lambda i: (0, 0)),
            pl.BlockSpec((D, D), lambda i: (0, 0)),
            pl.BlockSpec((8, D), lambda i: (0, 0)),
        ],
        out_specs=pl.BlockSpec((TB, D), lambda i: (i, 0)),
        out_shape=jax.ShapeDtypeStruct((N, D), jnp.float32),
    )(x, sum_p, deg_p, W_self, W_neigh, b8)
    return out

# --- scband reference (transcript-rebuilt; emitter-appended) ---
"""Pipeline reference for scband-sageconv-75101798138094 (READ-ONLY COPY).

The authoritative reference and input builder live on the scoring server;
editing this copy changes nothing except your own understanding.
"""

import jax, jax.numpy as jnp
import numpy as np

N = 10000
E = 320000
D = 128

def setup_inputs(seed: int = 0) -> dict:
    key = jax.random.key(seed)
    k1, k2, k3, k4 = jax.random.split(key, 4)
    x = jax.random.normal(k1, (N, D), dtype=jnp.float32)
    edge_index = jax.random.randint(k2, (2, E), 0, N, dtype=jnp.int32)
    # Glorot-uniform-like init for linear weights (stored as [in, out])
    limit = float(np.sqrt(6.0 / (D + D))) * float(np.sqrt(2.0))  # gain='relu'
    W_self = jax.random.uniform(k3, (D, D), dtype=jnp.float32, minval=-limit, maxval=limit)
    W_neigh = jax.random.uniform(k4, (D, D), dtype=jnp.float32, minval=-limit, maxval=limit)
    b = jnp.zeros((D,), dtype=jnp.float32)
    return {"x": x, "edge_index": edge_index, "W_self": W_self, "W_neigh": W_neigh, "b": b}

def reference(x, edge_index, W_self, W_neigh, b):
    # SAGEConv with 'mean' aggregator, feat_drop=0 (identity at inference)
    src = edge_index[0]
    dst = edge_index[1]
    n = x.shape[0]
    # message: copy source features along edges (gather)
    msg = jnp.take(x, src, axis=0)
    # mean-reduce by destination node (scatter-add + degree normalization)
    summed = jax.ops.segment_sum(msg, dst, num_segments=n)
    deg = jax.ops.segment_sum(jnp.ones((src.shape[0],), dtype=jnp.float32), dst, num_segments=n)
    h_neigh = summed / jnp.maximum(deg, 1.0)[:, None]
    # rst = fc_self(h_self) + fc_neigh(h_neigh) + bias
    out = x @ W_self + h_neigh @ W_neigh + b
    return out

if __name__ == "__main__":
    import jax
    _d = setup_inputs()
    print(jax.jit(kernel)(*tuple(_d.values())))

</pallas_src>

<mosaic_0001>
#map = affine_map<(d0, d1) -> (0, 0, 0, 0, 0)>
#map1 = affine_map<(d0, d1) -> (0, 0)>
#map2 = affine_map<(d0, d1) -> (0, 0, 0)>
module attributes {stable_mosaic.version = 14 : i64} {
  func.func @_sc_segsum(%arg0: i32, %arg1: i32, %arg2: memref<2x16x5x25x80xi32, #tpu.memory_space<hbm>>, %arg3: memref<2x16x5x25x80xi32, #tpu.memory_space<hbm>>, %arg4: memref<10000x128xf32, #tpu.memory_space<hbm>>, %arg5: memref<2x10240x128xf32, #tpu.memory_space<hbm>>, %arg6: memref<2x10240x16xf32, #tpu.memory_space<hbm>>, %arg7: memref<25x80xi32, #tpu.memory_space<vmem>>, %arg8: memref<25x80xi32, #tpu.memory_space<vmem>>, %arg9: memref<80x128xf32, #tpu.memory_space<vmem>>, %arg10: memref<80x16xf32, #tpu.memory_space<vmem>>, %arg11: memref<160x16xf32, #tpu.memory_space<vmem>>, %arg12: memref<10240x128xf32, #tpu.memory_space<vmem_shared>>, %arg13: memref<10240x16xf32, #tpu.memory_space<vmem_shared>>, %arg14: memref<!tpu.dma_semaphore, #tpu.memory_space<semaphore_mem>>) attributes {dimension_semantics = [#tpu.dimension_semantics<core_parallel>, #tpu.dimension_semantics<subcore_parallel>], iteration_bounds = array<i64: 2, 16>, scalar_prefetch = 0 : i64, scratch_operands = 8 : i64, tpu.core_type = #tpu.core_type<sc_vector_subcore>, window_params = [{transform_indices = #map}, {transform_indices = #map}, {transform_indices = #map1}, {transform_indices = #map2}, {transform_indices = #map2}]} {
    %broadcast_in_dim3A = arith.constant 0.000000e+00 : f32
    %broadcast_in_dim3A_0 = vector.broadcast %broadcast_in_dim3A : f32 to vector<16xf32>
    %broadcast_in_dim3A_1 = arith.constant 1.000000e+00 : f32
    %broadcast_in_dim3A_2 = vector.broadcast %broadcast_in_dim3A_1 : f32 to vector<16xf32>
    %scan3A = arith.constant 0 : i32
    %scan3A_3 = arith.constant 0 : i32
    %scan3A_4 = arith.constant 80 : i32
    %scan3A_5 = arith.addi %scan3A_3, %scan3A_4 : i32
    %scan3A_6 = arith.constant 1 : i32
    scf.for %scan3A_81 = %scan3A_3 to %scan3A_5 step %scan3A_6  : i32 {
      %swap3A = arith.index_cast %scan3A_81 : i32 to index
      %swap3A_82 = arith.constant 0 : index
      %swap3A_83 = tpu.vector_load %arg10[%swap3A, %swap3A_82] {strides = array<i32>} : memref<80x16xf32, #tpu.memory_space<vmem>>, vector<1x16xf32>,
      %swap3A_84 = vector.shape_cast %swap3A_83 : vector<1x16xf32> to vector<16xf32>
      %swap3A_85 = vector.shape_cast %broadcast_in_dim3A_2 : vector<16xf32> to vector<1x16xf32>
      tpu.vector_store %arg10[%swap3A, %swap3A_82], %swap3A_85 {strides = array<i32>} : memref<80x16xf32, #tpu.memory_space<vmem>>, vector<1x16xf32>,
    }
    %scan3A_7 = arith.constant 80 : i32
    %scan3A_8 = arith.constant 0 : i32
    %scan3A_9 = arith.constant 0 : i32
    %scan3A_10 = arith.constant 640 : i32
    %scan3A_11 = arith.addi %scan3A_9, %scan3A_10 : i32
    %scan3A_12 = arith.constant 1 : i32
    scf.for %scan3A_81 = %scan3A_9 to %scan3A_11 step %scan3A_12  : i32 {
      %jit3A = arith.constant 8 : i32
      %div3A = arith.divsi %scan3A_81, %jit3A : i32
      %sign3A = arith.constant 0 : i32
      %sign3A_82 = arith.cmpi sgt, %scan3A_81, %sign3A : i32
      %sign3A_83 = arith.extui %sign3A_82 : i1 to i32
      %sign3A_84 = arith.constant 0 : i32
      %sign3A_85 = arith.cmpi slt, %scan3A_81, %sign3A_84 : i32
      %sign3A_86 = arith.extui %sign3A_85 : i1 to i32
      %sign3A_87 = arith.subi %sign3A_83, %sign3A_86 : i32
      %sign3A_88 = arith.constant 0 : i32
      %sign3A_89 = arith.cmpi sgt, %jit3A, %sign3A_88 : i32
      %sign3A_90 = arith.extui %sign3A_89 : i1 to i32
      %sign3A_91 = arith.constant 0 : i32
      %sign3A_92 = arith.cmpi slt, %jit3A, %sign3A_91 : i32
      %sign3A_93 = arith.extui %sign3A_92 : i1 to i32
      %sign3A_94 = arith.subi %sign3A_90, %sign3A_93 : i32
      %ne3A = arith.cmpi ne, %sign3A_87, %sign3A_94 : i32
      %rem3A = arith.remsi %scan3A_81, %jit3A : i32
      %ne3A_95 = arith.constant 0 : i32
      %ne3A_96 = arith.cmpi ne, %rem3A, %ne3A_95 : i32
      %and3A = arith.andi %ne3A, %ne3A_96 : i1
      %sub3A = arith.constant 1 : i32
      %sub3A_97 = arith.subi %div3A, %sub3A : i32
      %select_n3A = arith.select %and3A, %sub3A_97, %div3A : i32
      %jit3A_98 = arith.constant 8 : i32
      %eq3A = arith.constant 0 : i32
      %eq3A_99 = arith.cmpi eq, %jit3A_98, %eq3A : i32
      %jit3A_100 = arith.constant 1 : i32
      %select_n3A_101 = arith.select %eq3A_99, %jit3A_100, %jit3A_98 : i32
      %rem3A_102 = arith.remsi %scan3A_81, %select_n3A_101 : i32
      %ne3A_103 = arith.constant 0 : i32
      %ne3A_104 = arith.cmpi ne, %rem3A_102, %ne3A_103 : i32
      %lt3A = arith.constant 0 : i32
      %lt3A_105 = arith.cmpi slt, %rem3A_102, %lt3A : i32
      %lt3A_106 = arith.constant 0 : i32
      %lt3A_107 = arith.cmpi slt, %select_n3A_101, %lt3A_106 : i32
      %ne3A_108 = arith.xori %lt3A_105, %lt3A_107 : i1
      %and3A_109 = arith.andi %ne3A_108, %ne3A_104 : i1
      %add3A_110 = arith.addi %rem3A_102, %select_n3A_101 : i32
      %select_n3A_111 = arith.select %and3A_109, %add3A_110, %rem3A_102 : i32
      %mul3A_112 = arith.constant 16 : i32
      %mul3A_113 = arith.muli %select_n3A_111, %mul3A_112 : i32
      %swap3A = arith.index_cast %select_n3A : i32 to index
      %swap3A_114 = arith.index_cast %mul3A_113 : i32 to index
      %swap3A_115 = tpu.vector_load %arg9[%swap3A, %swap3A_114] {strides = array<i32>} : memref<80x128xf32, #tpu.memory_space<vmem>>, vector<1x16xf32>,
      %swap3A_116 = vector.shape_cast %swap3A_115 : vector<1x16xf32> to vector<16xf32>
      %swap3A_117 = vector.shape_cast %broadcast_in_dim3A_0 : vector<16xf32> to vector<1x16xf32>
      tpu.vector_store %arg9[%swap3A, %swap3A_114], %swap3A_117 {strides = array<i32>} : memref<80x128xf32, #tpu.memory_space<vmem>>, vector<1x16xf32>,
    }
    %scan3A_13 = arith.constant 640 : i32
    %scan3A_14 = arith.constant 0 : i32
    %scan3A_15 = arith.constant 0 : i32
    %scan3A_16 = arith.constant 160 : i32
    %scan3A_17 = arith.addi %scan3A_15, %scan3A_16 : i32
    %scan3A_18 = arith.constant 1 : i32
    scf.for %scan3A_81 = %scan3A_15 to %scan3A_17 step %scan3A_18  : i32 {
      %swap3A = arith.index_cast %scan3A_81 : i32 to index
      %swap3A_82 = arith.constant 0 : index
      %swap3A_83 = tpu.vector_load %arg11[%swap3A, %swap3A_82] {strides = array<i32>} : memref<160x16xf32, #tpu.memory_space<vmem>>, vector<1x16xf32>,
      %swap3A_84 = vector.shape_cast %swap3A_83 : vector<1x16xf32> to vector<16xf32>
      %swap3A_85 = vector.shape_cast %broadcast_in_dim3A_0 : vector<16xf32> to vector<1x16xf32>
      tpu.vector_store %arg11[%swap3A, %swap3A_82], %swap3A_85 {strides = array<i32>} : memref<160x16xf32, #tpu.memory_space<vmem>>, vector<1x16xf32>,
    }
    %scan3A_19 = arith.constant 160 : i32
    %mul3A = arith.constant 640 : i32
    %mul3A_20 = arith.muli %arg1, %mul3A : i32
    %add3A = arith.constant 0 : i32
    %add3A_21 = arith.addi %mul3A_20, %add3A : i32
    "tpu.region"() ({
      %run_scoped3A = tpu.sem_alloc : memref<!tpu.dma_semaphore, #tpu.memory_space<semaphore_mem>>
      %dma_start3A = arith.constant 0 : i32
      %dma_start3A_81 = tpu.memref_slice %arg12[%add3A_21, %dma_start3A] : memref<10240x128xf32, #tpu.memory_space<vmem_shared>> -> memref<80x128xf32, #tpu.memory_space<vmem_shared>>
      %dma_start3A_82 = arith.constant 0 : i32
      %dma_start3A_83 = tpu.memref_slice %arg12[%add3A_21, %dma_start3A_82] : memref<10240x128xf32, #tpu.memory_space<vmem_shared>> -> memref<80x128xf32, #tpu.memory_space<vmem_shared>>
      tpu.enqueue_dma source(%arg9 : memref<80x128xf32, #tpu.memory_space<vmem>>) target(%dma_start3A_83 : memref<80x128xf32, #tpu.memory_space<vmem_shared>>) target_semaphore(%run_scoped3A : memref<!tpu.dma_semaphore, #tpu.memory_space<semaphore_mem>>)
      %dma_wait3A = arith.constant 0 : i32
      %dma_wait3A_84 = tpu.memref_slice %arg12[%add3A_21, %dma_wait3A] : memref<10240x128xf32, #tpu.memory_space<vmem_shared>> -> memref<80x128xf32, #tpu.memory_space<vmem_shared>>
      %dma_wait3A_85 = arith.constant 0 : i32
      %dma_wait3A_86 = tpu.memref_slice %arg12[%add3A_21, %dma_wait3A_85] : memref<10240x128xf32, #tpu.memory_space<vmem_shared>> -> memref<80x128xf32, #tpu.memory_space<vmem_shared>>
      tpu.wait_dma2 semaphore(%run_scoped3A : memref<!tpu.dma_semaphore, #tpu.memory_space<semaphore_mem>>) src(%arg9 : memref<80x128xf32, #tpu.memory_space<vmem>>) dst(%dma_wait3A_86 : memref<80x128xf32, #tpu.memory_space<vmem_shared>>)
      tpu.yield
    }) : () -> ()
    %mul3A_22 = arith.constant 640 : i32
    %mul3A_23 = arith.muli %arg1, %mul3A_22 : i32
    %add3A_24 = arith.constant 80 : i32
    %add3A_25 = arith.addi %mul3A_23, %add3A_24 : i32
    "tpu.region"() ({
      %run_scoped3A = tpu.sem_alloc : memref<!tpu.dma_semaphore, #tpu.memory_space<semaphore_mem>>
      %dma_start3A = arith.constant 0 : i32
      %dma_start3A_81 = tpu.memref_slice %arg12[%add3A_25, %dma_start3A] : memref<10240x128xf32, #tpu.memory_space<vmem_shared>> -> memref<80x128xf32, #tpu.memory_space<vmem_shared>>
      %dma_start3A_82 = arith.constant 0 : i32
      %dma_start3A_83 = tpu.memref_slice %arg12[%add3A_25, %dma_start3A_82] : memref<10240x128xf32, #tpu.memory_space<vmem_shared>> -> memref<80x128xf32, #tpu.memory_space<vmem_shared>>
      tpu.enqueue_dma source(%arg9 : memref<80x128xf32, #tpu.memory_space<vmem>>) target(%dma_start3A_83 : memref<80x128xf32, #tpu.memory_space<vmem_shared>>) target_semaphore(%run_scoped3A : memref<!tpu.dma_semaphore, #tpu.memory_space<semaphore_mem>>)
      %dma_wait3A = arith.constant 0 : i32
      %dma_wait3A_84 = tpu.memref_slice %arg12[%add3A_25, %dma_wait3A] : memref<10240x128xf32, #tpu.memory_space<vmem_shared>> -> memref<80x128xf32, #tpu.memory_space<vmem_shared>>
      %dma_wait3A_85 = arith.constant 0 : i32
      %dma_wait3A_86 = tpu.memref_slice %arg12[%add3A_25, %dma_wait3A_85] : memref<10240x128xf32, #tpu.memory_space<vmem_shared>> -> memref<80x128xf32, #tpu.memory_space<vmem_shared>>
      tpu.wait_dma2 semaphore(%run_scoped3A : memref<!tpu.dma_semaphore, #tpu.memory_space<semaphore_mem>>) src(%arg9 : memref<80x128xf32, #tpu.memory_space<vmem>>) dst(%dma_wait3A_86 : memref<80x128xf32, #tpu.memory_space<vmem_shared>>)
      tpu.yield
    }) : () -> ()
    %mul3A_26 = arith.constant 640 : i32
    %mul3A_27 = arith.muli %arg1, %mul3A_26 : i32
    %add3A_28 = arith.constant 160 : i32
    %add3A_29 = arith.addi %mul3A_27, %add3A_28 : i32
    "tpu.region"() ({
      %run_scoped3A = tpu.sem_alloc : memref<!tpu.dma_semaphore, #tpu.memory_space<semaphore_mem>>
      %dma_start3A = arith.constant 0 : i32
      %dma_start3A_81 = tpu.memref_slice %arg12[%add3A_29, %dma_start3A] : memref<10240x128xf32, #tpu.memory_space<vmem_shared>> -> memref<80x128xf32, #tpu.memory_space<vmem_shared>>
      %dma_start3A_82 = arith.constant 0 : i32
      %dma_start3A_83 = tpu.memref_slice %arg12[%add3A_29, %dma_start3A_82] : memref<10240x128xf32, #tpu.memory_space<vmem_shared>> -> memref<80x128xf32, #tpu.memory_space<vmem_shared>>
      tpu.enqueue_dma source(%arg9 : memref<80x128xf32, #tpu.memory_space<vmem>>) target(%dma_start3A_83 : memref<80x128xf32, #tpu.memory_space<vmem_shared>>) target_semaphore(%run_scoped3A : memref<!tpu.dma_semaphore, #tpu.memory_space<semaphore_mem>>)
      %dma_wait3A = arith.constant 0 : i32
      %dma_wait3A_84 = tpu.memref_slice %arg12[%add3A_29, %dma_wait3A] : memref<10240x128xf32, #tpu.memory_space<vmem_shared>> -> memref<80x128xf32, #tpu.memory_space<vmem_shared>>
      %dma_wait3A_85 = arith.constant 0 : i32
      %dma_wait3A_86 = tpu.memref_slice %arg12[%add3A_29, %dma_wait3A_85] : memref<10240x128xf32, #tpu.memory_space<vmem_shared>> -> memref<80x128xf32, #tpu.memory_space<vmem_shared>>
      tpu.wait_dma2 semaphore(%run_scoped3A : memref<!tpu.dma_semaphore, #tpu.memory_space<semaphore_mem>>) src(%arg9 : memref<80x128xf32, #tpu.memory_space<vmem>>) dst(%dma_wait3A_86 : memref<80x128xf32, #tpu.memory_space<vmem_shared>>)
      tpu.yield
    }) : () -> ()
    %mul3A_30 = arith.constant 640 : i32
    %mul3A_31 = arith.muli %arg1, %mul3A_30 : i32
    %add3A_32 = arith.constant 240 : i32
    %add3A_33 = arith.addi %mul3A_31, %add3A_32 : i32
    "tpu.region"() ({
      %run_scoped3A = tpu.sem_alloc : memref<!tpu.dma_semaphore, #tpu.memory_space<semaphore_mem>>
      %dma_start3A = arith.constant 0 : i32
      %dma_start3A_81 = tpu.memref_slice %arg12[%add3A_33, %dma_start3A] : memref<10240x128xf32, #tpu.memory_space<vmem_shared>> -> memref<80x128xf32, #tpu.memory_space<vmem_shared>>
      %dma_start3A_82 = arith.constant 0 : i32
      %dma_start3A_83 = tpu.memref_slice %arg12[%add3A_33, %dma_start3A_82] : memref<10240x128xf32, #tpu.memory_space<vmem_shared>> -> memref<80x128xf32, #tpu.memory_space<vmem_shared>>
      tpu.enqueue_dma source(%arg9 : memref<80x128xf32, #tpu.memory_space<vmem>>) target(%dma_start3A_83 : memref<80x128xf32, #tpu.memory_space<vmem_shared>>) target_semaphore(%run_scoped3A : memref<!tpu.dma_semaphore, #tpu.memory_space<semaphore_mem>>)
      %dma_wait3A = arith.constant 0 : i32
      %dma_wait3A_84 = tpu.memref_slice %arg12[%add3A_33, %dma_wait3A] : memref<10240x128xf32, #tpu.memory_space<vmem_shared>> -> memref<80x128xf32, #tpu.memory_space<vmem_shared>>
      %dma_wait3A_85 = arith.constant 0 : i32
      %dma_wait3A_86 = tpu.memref_slice %arg12[%add3A_33, %dma_wait3A_85] : memref<10240x128xf32, #tpu.memory_space<vmem_shared>> -> memref<80x128xf32, #tpu.memory_space<vmem_shared>>
      tpu.wait_dma2 semaphore(%run_scoped3A : memref<!tpu.dma_semaphore, #tpu.memory_space<semaphore_mem>>) src(%arg9 : memref<80x128xf32, #tpu.memory_space<vmem>>) dst(%dma_wait3A_86 : memref<80x128xf32, #tpu.memory_space<vmem_shared>>)
      tpu.yield
    }) : () -> ()
    %mul3A_34 = arith.constant 640 : i32
    %mul3A_35 = arith.muli %arg1, %mul3A_34 : i32
    %add3A_36 = arith.constant 320 : i32
    %add3A_37 = arith.addi %mul3A_35, %add3A_36 : i32
    "tpu.region"() ({
      %run_scoped3A = tpu.sem_alloc : memref<!tpu.dma_semaphore, #tpu.memory_space<semaphore_mem>>
      %dma_start3A = arith.constant 0 : i32
      %dma_start3A_81 = tpu.memref_slice %arg12[%add3A_37, %dma_start3A] : memref<10240x128xf32, #tpu.memory_space<vmem_shared>> -> memref<80x128xf32, #tpu.memory_space<vmem_shared>>
      %dma_start3A_82 = arith.constant 0 : i32
      %dma_start3A_83 = tpu.memref_slice %arg12[%add3A_37, %dma_start3A_82] : memref<10240x128xf32, #tpu.memory_space<vmem_shared>> -> memref<80x128xf32, #tpu.memory_space<vmem_shared>>
      tpu.enqueue_dma source(%arg9 : memref<80x128xf32, #tpu.memory_space<vmem>>) target(%dma_start3A_83 : memref<80x128xf32, #tpu.memory_space<vmem_shared>>) target_semaphore(%run_scoped3A : memref<!tpu.dma_semaphore, #tpu.memory_space<semaphore_mem>>)
      %dma_wait3A = arith.constant 0 : i32
      %dma_wait3A_84 = tpu.memref_slice %arg12[%add3A_37, %dma_wait3A] : memref<10240x128xf32, #tpu.memory_space<vmem_shared>> -> memref<80x128xf32, #tpu.memory_space<vmem_shared>>
      %dma_wait3A_85 = arith.constant 0 : i32
      %dma_wait3A_86 = tpu.memref_slice %arg12[%add3A_37, %dma_wait3A_85] : memref<10240x128xf32, #tpu.memory_space<vmem_shared>> -> memref<80x128xf32, #tpu.memory_space<vmem_shared>>
      tpu.wait_dma2 semaphore(%run_scoped3A : memref<!tpu.dma_semaphore, #tpu.memory_space<semaphore_mem>>) src(%arg9 : memref<80x128xf32, #tpu.memory_space<vmem>>) dst(%dma_wait3A_86 : memref<80x128xf32, #tpu.memory_space<vmem_shared>>)
      tpu.yield
    }) : () -> ()
    %mul3A_38 = arith.constant 640 : i32
    %mul3A_39 = arith.muli %arg1, %mul3A_38 : i32
    %add3A_40 = arith.constant 400 : i32
    %add3A_41 = arith.addi %mul3A_39, %add3A_40 : i32
    "tpu.region"() ({
      %run_scoped3A = tpu.sem_alloc : memref<!tpu.dma_semaphore, #tpu.memory_space<semaphore_mem>>
      %dma_start3A = arith.constant 0 : i32
      %dma_start3A_81 = tpu.memref_slice %arg12[%add3A_41, %dma_start3A] : memref<10240x128xf32, #tpu.memory_space<vmem_shared>> -> memref<80x128xf32, #tpu.memory_space<vmem_shared>>
      %dma_start3A_82 = arith.constant 0 : i32
      %dma_start3A_83 = tpu.memref_slice %arg12[%add3A_41, %dma_start3A_82] : memref<10240x128xf32, #tpu.memory_space<vmem_shared>> -> memref<80x128xf32, #tpu.memory_space<vmem_shared>>
      tpu.enqueue_dma source(%arg9 : memref<80x128xf32, #tpu.memory_space<vmem>>) target(%dma_start3A_83 : memref<80x128xf32, #tpu.memory_space<vmem_shared>>) target_semaphore(%run_scoped3A : memref<!tpu.dma_semaphore, #tpu.memory_space<semaphore_mem>>)
      %dma_wait3A = arith.constant 0 : i32
      %dma_wait3A_84 = tpu.memref_slice %arg12[%add3A_41, %dma_wait3A] : memref<10240x128xf32, #tpu.memory_space<vmem_shared>> -> memref<80x128xf32, #tpu.memory_space<vmem_shared>>
      %dma_wait3A_85 = arith.constant 0 : i32
      %dma_wait3A_86 = tpu.memref_slice %arg12[%add3A_41, %dma_wait3A_85] : memref<10240x128xf32, #tpu.memory_space<vmem_shared>> -> memref<80x128xf32, #tpu.memory_space<vmem_shared>>
      tpu.wait_dma2 semaphore(%run_scoped3A : memref<!tpu.dma_semaphore, #tpu.memory_space<semaphore_mem>>) src(%arg9 : memref<80x128xf32, #tpu.memory_space<vmem>>) dst(%dma_wait3A_86 : memref<80x128xf32, #tpu.memory_space<vmem_shared>>)
      tpu.yield
    }) : () -> ()
    %mul3A_42 = arith.constant 640 : i32
    %mul3A_43 = arith.muli %arg1, %mul3A_42 : i32
    %add3A_44 = arith.constant 480 : i32
    %add3A_45 = arith.addi %mul3A_43, %add3A_44 : i32
    "tpu.region"() ({
      %run_scoped3A = tpu.sem_alloc : memref<!tpu.dma_semaphore, #tpu.memory_space<semaphore_mem>>
      %dma_start3A = arith.constant 0 : i32
      %dma_start3A_81 = tpu.memref_slice %arg12[%add3A_45, %dma_start3A] : memref<10240x128xf32, #tpu.memory_space<vmem_shared>> -> memref<80x128xf32, #tpu.memory_space<vmem_shared>>
      %dma_start3A_82 = arith.constant 0 : i32
      %dma_start3A_83 = tpu.memref_slice %arg12[%add3A_45, %dma_start3A_82] : memref<10240x128xf32, #tpu.memory_space<vmem_shared>> -> memref<80x128xf32, #tpu.memory_space<vmem_shared>>
      tpu.enqueue_dma source(%arg9 : memref<80x128xf32, #tpu.memory_space<vmem>>) target(%dma_start3A_83 : memref<80x128xf32, #tpu.memory_space<vmem_shared>>) target_semaphore(%run_scoped3A : memref<!tpu.dma_semaphore, #tpu.memory_space<semaphore_mem>>)
      %dma_wait3A = arith.constant 0 : i32
      %dma_wait3A_84 = tpu.memref_slice %arg12[%add3A_45, %dma_wait3A] : memref<10240x128xf32, #tpu.memory_space<vmem_shared>> -> memref<80x128xf32, #tpu.memory_space<vmem_shared>>
      %dma_wait3A_85 = arith.constant 0 : i32
      %dma_wait3A_86 = tpu.memref_slice %arg12[%add3A_45, %dma_wait3A_85] : memref<10240x128xf32, #tpu.memory_space<vmem_shared>> -> memref<80x128xf32, #tpu.memory_space<vmem_shared>>
      tpu.wait_dma2 semaphore(%run_scoped3A : memref<!tpu.dma_semaphore, #tpu.memory_space<semaphore_mem>>) src(%arg9 : memref<80x128xf32, #tpu.memory_space<vmem>>) dst(%dma_wait3A_86 : memref<80x128xf32, #tpu.memory_space<vmem_shared>>)
      tpu.yield
    }) : () -> ()
    %mul3A_46 = arith.constant 640 : i32
    %mul3A_47 = arith.muli %arg1, %mul3A_46 : i32
    %add3A_48 = arith.constant 560 : i32
    %add3A_49 = arith.addi %mul3A_47, %add3A_48 : i32
    "tpu.region"() ({
      %run_scoped3A = tpu.sem_alloc : memref<!tpu.dma_semaphore, #tpu.memory_space<semaphore_mem>>
      %dma_start3A = arith.constant 0 : i32
      %dma_start3A_81 = tpu.memref_slice %arg12[%add3A_49, %dma_start3A] : memref<10240x128xf32, #tpu.memory_space<vmem_shared>> -> memref<80x128xf32, #tpu.memory_space<vmem_shared>>
      %dma_start3A_82 = arith.constant 0 : i32
      %dma_start3A_83 = tpu.memref_slice %arg12[%add3A_49, %dma_start3A_82] : memref<10240x128xf32, #tpu.memory_space<vmem_shared>> -> memref<80x128xf32, #tpu.memory_space<vmem_shared>>
      tpu.enqueue_dma source(%arg9 : memref<80x128xf32, #tpu.memory_space<vmem>>) target(%dma_start3A_83 : memref<80x128xf32, #tpu.memory_space<vmem_shared>>) target_semaphore(%run_scoped3A : memref<!tpu.dma_semaphore, #tpu.memory_space<semaphore_mem>>)
      %dma_wait3A = arith.constant 0 : i32
      %dma_wait3A_84 = tpu.memref_slice %arg12[%add3A_49, %dma_wait3A] : memref<10240x128xf32, #tpu.memory_space<vmem_shared>> -> memref<80x128xf32, #tpu.memory_space<vmem_shared>>
      %dma_wait3A_85 = arith.constant 0 : i32
      %dma_wait3A_86 = tpu.memref_slice %arg12[%add3A_49, %dma_wait3A_85] : memref<10240x128xf32, #tpu.memory_space<vmem_shared>> -> memref<80x128xf32, #tpu.memory_space<vmem_shared>>
      tpu.wait_dma2 semaphore(%run_scoped3A : memref<!tpu.dma_semaphore, #tpu.memory_space<semaphore_mem>>) src(%arg9 : memref<80x128xf32, #tpu.memory_space<vmem>>) dst(%dma_wait3A_86 : memref<80x128xf32, #tpu.memory_space<vmem_shared>>)
      tpu.yield
    }) : () -> ()
    %mul3A_50 = arith.constant 640 : i32
    %mul3A_51 = arith.muli %arg1, %mul3A_50 : i32
    %add3A_52 = arith.constant 0 : i32
    %add3A_53 = arith.addi %mul3A_51, %add3A_52 : i32
    "tpu.region"() ({
      %run_scoped3A = tpu.sem_alloc : memref<!tpu.dma_semaphore, #tpu.memory_space<semaphore_mem>>
      %dma_start3A = arith.constant 0 : i32
      %dma_start3A_81 = tpu.memref_slice %arg13[%add3A_53, %dma_start3A] : memref<10240x16xf32, #tpu.memory_space<vmem_shared>> -> memref<160x16xf32, #tpu.memory_space<vmem_shared>>
      %dma_start3A_82 = arith.constant 0 : i32
      %dma_start3A_83 = tpu.memref_slice %arg13[%add3A_53, %dma_start3A_82] : memref<10240x16xf32, #tpu.memory_space<vmem_shared>> -> memref<160x16xf32, #tpu.memory_space<vmem_shared>>
      tpu.enqueue_dma source(%arg11 : memref<160x16xf32, #tpu.memory_space<vmem>>) target(%dma_start3A_83 : memref<160x16xf32, #tpu.memory_space<vmem_shared>>) target_semaphore(%run_scoped3A : memref<!tpu.dma_semaphore, #tpu.memory_space<semaphore_mem>>)
      %dma_wait3A = arith.constant 0 : i32
      %dma_wait3A_84 = tpu.memref_slice %arg13[%add3A_53, %dma_wait3A] : memref<10240x16xf32, #tpu.memory_space<vmem_shared>> -> memref<160x16xf32, #tpu.memory_space<vmem_shared>>
      %dma_wait3A_85 = arith.constant 0 : i32
      %dma_wait3A_86 = tpu.memref_slice %arg13[%add3A_53, %dma_wait3A_85] : memref<10240x16xf32, #tpu.memory_space<vmem_shared>> -> memref<160x16xf32, #tpu.memory_space<vmem_shared>>
      tpu.wait_dma2 semaphore(%run_scoped3A : memref<!tpu.dma_semaphore, #tpu.memory_space<semaphore_mem>>) src(%arg11 : memref<160x16xf32, #tpu.memory_space<vmem>>) dst(%dma_wait3A_86 : memref<160x16xf32, #tpu.memory_space<vmem_shared>>)
      tpu.yield
    }) : () -> ()
    %mul3A_54 = arith.constant 640 : i32
    %mul3A_55 = arith.muli %arg1, %mul3A_54 : i32
    %add3A_56 = arith.constant 160 : i32
    %add3A_57 = arith.addi %mul3A_55, %add3A_56 : i32
    "tpu.region"() ({
      %run_scoped3A = tpu.sem_alloc : memref<!tpu.dma_semaphore, #tpu.memory_space<semaphore_mem>>
      %dma_start3A = arith.constant 0 : i32
      %dma_start3A_81 = tpu.memref_slice %arg13[%add3A_57, %dma_start3A] : memref<10240x16xf32, #tpu.memory_space<vmem_shared>> -> memref<160x16xf32, #tpu.memory_space<vmem_shared>>
      %dma_start3A_82 = arith.constant 0 : i32
      %dma_start3A_83 = tpu.memref_slice %arg13[%add3A_57, %dma_start3A_82] : memref<10240x16xf32, #tpu.memory_space<vmem_shared>> -> memref<160x16xf32, #tpu.memory_space<vmem_shared>>
      tpu.enqueue_dma source(%arg11 : memref<160x16xf32, #tpu.memory_space<vmem>>) target(%dma_start3A_83 : memref<160x16xf32, #tpu.memory_space<vmem_shared>>) target_semaphore(%run_scoped3A : memref<!tpu.dma_semaphore, #tpu.memory_space<semaphore_mem>>)
      %dma_wait3A = arith.constant 0 : i32
      %dma_wait3A_84 = tpu.memref_slice %arg13[%add3A_57, %dma_wait3A] : memref<10240x16xf32, #tpu.memory_space<vmem_shared>> -> memref<160x16xf32, #tpu.memory_space<vmem_shared>>
      %dma_wait3A_85 = arith.constant 0 : i32
      %dma_wait3A_86 = tpu.memref_slice %arg13[%add3A_57, %dma_wait3A_85] : memref<10240x16xf32, #tpu.memory_space<vmem_shared>> -> memref<160x16xf32, #tpu.memory_space<vmem_shared>>
      tpu.wait_dma2 semaphore(%run_scoped3A : memref<!tpu.dma_semaphore, #tpu.memory_space<semaphore_mem>>) src(%arg11 : memref<160x16xf32, #tpu.memory_space<vmem>>) dst(%dma_wait3A_86 : memref<160x16xf32, #tpu.memory_space<vmem_shared>>)
      tpu.yield
    }) : () -> ()
    %mul3A_58 = arith.constant 640 : i32
    %mul3A_59 = arith.muli %arg1, %mul3A_58 : i32
    %add3A_60 = arith.constant 320 : i32
    %add3A_61 = arith.addi %mul3A_59, %add3A_60 : i32
    "tpu.region"() ({
      %run_scoped3A = tpu.sem_alloc : memref<!tpu.dma_semaphore, #tpu.memory_space<semaphore_mem>>
      %dma_start3A = arith.constant 0 : i32
      %dma_start3A_81 = tpu.memref_slice %arg13[%add3A_61, %dma_start3A] : memref<10240x16xf32, #tpu.memory_space<vmem_shared>> -> memref<160x16xf32, #tpu.memory_space<vmem_shared>>
      %dma_start3A_82 = arith.constant 0 : i32
      %dma_start3A_83 = tpu.memref_slice %arg13[%add3A_61, %dma_start3A_82] : memref<10240x16xf32, #tpu.memory_space<vmem_shared>> -> memref<160x16xf32, #tpu.memory_space<vmem_shared>>
      tpu.enqueue_dma source(%arg11 : memref<160x16xf32, #tpu.memory_space<vmem>>) target(%dma_start3A_83 : memref<160x16xf32, #tpu.memory_space<vmem_shared>>) target_semaphore(%run_scoped3A : memref<!tpu.dma_semaphore, #tpu.memory_space<semaphore_mem>>)
      %dma_wait3A = arith.constant 0 : i32
      %dma_wait3A_84 = tpu.memref_slice %arg13[%add3A_61, %dma_wait3A] : memref<10240x16xf32, #tpu.memory_space<vmem_shared>> -> memref<160x16xf32, #tpu.memory_space<vmem_shared>>
      %dma_wait3A_85 = arith.constant 0 : i32
      %dma_wait3A_86 = tpu.memref_slice %arg13[%add3A_61, %dma_wait3A_85] : memref<10240x16xf32, #tpu.memory_space<vmem_shared>> -> memref<160x16xf32, #tpu.memory_space<vmem_shared>>
      tpu.wait_dma2 semaphore(%run_scoped3A : memref<!tpu.dma_semaphore, #tpu.memory_space<semaphore_mem>>) src(%arg11 : memref<160x16xf32, #tpu.memory_space<vmem>>) dst(%dma_wait3A_86 : memref<160x16xf32, #tpu.memory_space<vmem_shared>>)
      tpu.yield
    }) : () -> ()
    %mul3A_62 = arith.constant 640 : i32
    %mul3A_63 = arith.muli %arg1, %mul3A_62 : i32
    %add3A_64 = arith.constant 480 : i32
    %add3A_65 = arith.addi %mul3A_63, %add3A_64 : i32
    "tpu.region"() ({
      %run_scoped3A = tpu.sem_alloc : memref<!tpu.dma_semaphore, #tpu.memory_space<semaphore_mem>>
      %dma_start3A = arith.constant 0 : i32
      %dma_start3A_81 = tpu.memref_slice %arg13[%add3A_65, %dma_start3A] : memref<10240x16xf32, #tpu.memory_space<vmem_shared>> -> memref<160x16xf32, #tpu.memory_space<vmem_shared>>
      %dma_start3A_82 = arith.constant 0 : i32
      %dma_start3A_83 = tpu.memref_slice %arg13[%add3A_65, %dma_start3A_82] : memref<10240x16xf32, #tpu.memory_space<vmem_shared>> -> memref<160x16xf32, #tpu.memory_space<vmem_shared>>
      tpu.enqueue_dma source(%arg11 : memref<160x16xf32, #tpu.memory_space<vmem>>) target(%dma_start3A_83 : memref<160x16xf32, #tpu.memory_space<vmem_shared>>) target_semaphore(%run_scoped3A : memref<!tpu.dma_semaphore, #tpu.memory_space<semaphore_mem>>)
      %dma_wait3A = arith.constant 0 : i32
      %dma_wait3A_84 = tpu.memref_slice %arg13[%add3A_65, %dma_wait3A] : memref<10240x16xf32, #tpu.memory_space<vmem_shared>> -> memref<160x16xf32, #tpu.memory_space<vmem_shared>>
      %dma_wait3A_85 = arith.constant 0 : i32
      %dma_wait3A_86 = tpu.memref_slice %arg13[%add3A_65, %dma_wait3A_85] : memref<10240x16xf32, #tpu.memory_space<vmem_shared>> -> memref<160x16xf32, #tpu.memory_space<vmem_shared>>
      tpu.wait_dma2 semaphore(%run_scoped3A : memref<!tpu.dma_semaphore, #tpu.memory_space<semaphore_mem>>) src(%arg11 : memref<160x16xf32, #tpu.memory_space<vmem>>) dst(%dma_wait3A_86 : memref<160x16xf32, #tpu.memory_space<vmem_shared>>)
      tpu.yield
    }) : () -> ()
    %barrier3A = arith.constant 0 : index
    tpu.barrier barrier_id(%barrier3A)
    %scan3A_66 = arith.constant 0 : i32
    %scan3A_67 = arith.constant 0 : i32
    %scan3A_68 = arith.constant 5 : i32
    %scan3A_69 = arith.addi %scan3A_67, %scan3A_68 : i32
    %scan3A_70 = arith.constant 1 : i32
    scf.for %scan3A_81 = %scan3A_67 to %scan3A_69 step %scan3A_70  : i32 {
      "tpu.region"() ({
        %run_scoped3A = tpu.sem_alloc : memref<!tpu.dma_semaphore, #tpu.memory_space<semaphore_mem>>
        %dma_start3A = arith.constant 0 : i32
        %dma_start3A_88 = arith.constant 0 : i32
        %dma_start3A_89 = tpu.memref_slice %arg2[%arg0, %arg1, %scan3A_81, %dma_start3A, %dma_start3A_88] : memref<2x16x5x25x80xi32, #tpu.memory_space<hbm>> -> memref<1x1x1x25x80xi32, #tpu.memory_space<hbm>>
        %dma_start3A_90 = tpu.memref_squeeze %dma_start3A_89 : memref<1x1x1x25x80xi32, #tpu.memory_space<hbm>> -> memref<25x80xi32, #tpu.memory_space<hbm>>
        %dma_start3A_91 = arith.constant 0 : i32
        %dma_start3A_92 = arith.constant 0 : i32
        %dma_start3A_93 = tpu.memref_slice %arg2[%arg0, %arg1, %scan3A_81, %dma_start3A_91, %dma_start3A_92] : memref<2x16x5x25x80xi32, #tpu.memory_space<hbm>> -> memref<1x1x1x25x80xi32, #tpu.memory_space<hbm>>
        %dma_start3A_94 = tpu.memref_squeeze %dma_start3A_93 : memref<1x1x1x25x80xi32, #tpu.memory_space<hbm>> -> memref<25x80xi32, #tpu.memory_space<hbm>>
        tpu.enqueue_dma source(%dma_start3A_94 : memref<25x80xi32, #tpu.memory_space<hbm>>) target(%arg7 : memref<25x80xi32, #tpu.memory_space<vmem>>) target_semaphore(%run_scoped3A : memref<!tpu.dma_semaphore, #tpu.memory_space<semaphore_mem>>)
        %dma_wait3A = arith.constant 0 : i32
        %dma_wait3A_95 = arith.constant 0 : i32
        %dma_wait3A_96 = tpu.memref_slice %arg2[%arg0, %arg1, %scan3A_81, %dma_wait3A, %dma_wait3A_95] : memref<2x16x5x25x80xi32, #tpu.memory_space<hbm>> -> memref<1x1x1x25x80xi32, #tpu.memory_space<hbm>>
        %dma_wait3A_97 = tpu.memref_squeeze %dma_wait3A_96 : memref<1x1x1x25x80xi32, #tpu.memory_space<hbm>> -> memref<25x80xi32, #tpu.memory_space<hbm>>
        %dma_wait3A_98 = arith.constant 0 : i32
        %dma_wait3A_99 = arith.constant 0 : i32
        %dma_wait3A_100 = tpu.memref_slice %arg2[%arg0, %arg1, %scan3A_81, %dma_wait3A_98, %dma_wait3A_99] : memref<2x16x5x25x80xi32, #tpu.memory_space<hbm>> -> memref<1x1x1x25x80xi32, #tpu.memory_space<hbm>>
        %dma_wait3A_101 = tpu.memref_squeeze %dma_wait3A_100 : memref<1x1x1x25x80xi32, #tpu.memory_space<hbm>> -> memref<25x80xi32, #tpu.memory_space<hbm>>
        tpu.wait_dma2 semaphore(%run_scoped3A : memref<!tpu.dma_semaphore, #tpu.memory_space<semaphore_mem>>) src(%dma_wait3A_101 : memref<25x80xi32, #tpu.memory_space<hbm>>) dst(%arg7 : memref<25x80xi32, #tpu.memory_space<vmem>>)
        tpu.yield
      }) : () -> ()
      "tpu.region"() ({
        %run_scoped3A = tpu.sem_alloc : memref<!tpu.dma_semaphore, #tpu.memory_space<semaphore_mem>>
        %dma_start3A = arith.constant 0 : i32
        %dma_start3A_88 = arith.constant 0 : i32
        %dma_start3A_89 = tpu.memref_slice %arg3[%arg0, %arg1, %scan3A_81, %dma_start3A, %dma_start3A_88] : memref<2x16x5x25x80xi32, #tpu.memory_space<hbm>> -> memref<1x1x1x25x80xi32, #tpu.memory_space<hbm>>
        %dma_start3A_90 = tpu.memref_squeeze %dma_start3A_89 : memref<1x1x1x25x80xi32, #tpu.memory_space<hbm>> -> memref<25x80xi32, #tpu.memory_space<hbm>>
        %dma_start3A_91 = arith.constant 0 : i32
        %dma_start3A_92 = arith.constant 0 : i32
        %dma_start3A_93 = tpu.memref_slice %arg3[%arg0, %arg1, %scan3A_81, %dma_start3A_91, %dma_start3A_92] : memref<2x16x5x25x80xi32, #tpu.memory_space<hbm>> -> memref<1x1x1x25x80xi32, #tpu.memory_space<hbm>>
        %dma_start3A_94 = tpu.memref_squeeze %dma_start3A_93 : memref<1x1x1x25x80xi32, #tpu.memory_space<hbm>> -> memref<25x80xi32, #tpu.memory_space<hbm>>
        tpu.enqueue_dma source(%dma_start3A_94 : memref<25x80xi32, #tpu.memory_space<hbm>>) target(%arg8 : memref<25x80xi32, #tpu.memory_space<vmem>>) target_semaphore(%run_scoped3A : memref<!tpu.dma_semaphore, #tpu.memory_space<semaphore_mem>>)
        %dma_wait3A = arith.constant 0 : i32
        %dma_wait3A_95 = arith.constant 0 : i32
        %dma_wait3A_96 = tpu.memref_slice %arg3[%arg0, %arg1, %scan3A_81, %dma_wait3A, %dma_wait3A_95] : memref<2x16x5x25x80xi32, #tpu.memory_space<hbm>> -> memref<1x1x1x25x80xi32, #tpu.memory_space<hbm>>
        %dma_wait3A_97 = tpu.memref_squeeze %dma_wait3A_96 : memref<1x1x1x25x80xi32, #tpu.memory_space<hbm>> -> memref<25x80xi32, #tpu.memory_space<hbm>>
        %dma_wait3A_98 = arith.constant 0 : i32
        %dma_wait3A_99 = arith.constant 0 : i32
        %dma_wait3A_100 = tpu.memref_slice %arg3[%arg0, %arg1, %scan3A_81, %dma_wait3A_98, %dma_wait3A_99] : memref<2x16x5x25x80xi32, #tpu.memory_space<hbm>> -> memref<1x1x1x25x80xi32, #tpu.memory_space<hbm>>
        %dma_wait3A_101 = tpu.memref_squeeze %dma_wait3A_100 : memref<1x1x1x25x80xi32, #tpu.memory_space<hbm>> -> memref<25x80xi32, #tpu.memory_space<hbm>>
        tpu.wait_dma2 semaphore(%run_scoped3A : memref<!tpu.dma_semaphore, #tpu.memory_space<semaphore_mem>>) src(%dma_wait3A_101 : memref<25x80xi32, #tpu.memory_space<hbm>>) dst(%arg8 : memref<25x80xi32, #tpu.memory_space<vmem>>)
        tpu.yield
      }) : () -> ()
      %scan3A_82 = arith.constant 0 : i32
      %scan3A_83 = arith.constant 0 : i32
      %scan3A_84 = arith.constant 25 : i32
      %scan3A_85 = arith.addi %scan3A_83, %scan3A_84 : i32
      %scan3A_86 = arith.constant 1 : i32
      scf.for %scan3A_88 = %scan3A_83 to %scan3A_85 step %scan3A_86  : i32 {
        %dma_start3A = arith.constant 0 : i32
        %dma_start3A_89 = tpu.memref_slice %arg7[%scan3A_88, %dma_start3A] : memref<25x80xi32, #tpu.memory_space<vmem>> -> memref<1x80xi32, #tpu.memory_space<vmem>>
        %dma_start3A_90 = tpu.memref_squeeze %dma_start3A_89 : memref<1x80xi32, #tpu.memory_space<vmem>> -> memref<80xi32, #tpu.memory_space<vmem>>
        %dma_start3A_91 = arith.constant 0 : i32
        %dma_start3A_92 = arith.constant 0 : i32
        %dma_start3A_93 = tpu.memref_slice %arg4[%dma_start3A_91, %dma_start3A_92] : memref<10000x128xf32, #tpu.memory_space<hbm>> -> memref<10000x128xf32, #tpu.memory_space<hbm>>
        tpu.enqueue_indirect_dma source(%dma_start3A_93 : memref<10000x128xf32, #tpu.memory_space<hbm>>) target(%arg9 : memref<80x128xf32, #tpu.memory_space<vmem>>) offsets(%dma_start3A_90 : memref<80xi32, #tpu.memory_space<vmem>>) semaphore(%arg14 : memref<!tpu.dma_semaphore, #tpu.memory_space<semaphore_mem>>)
        %dma_wait3A = arith.constant 0 : i32
        %dma_wait3A_94 = tpu.memref_slice %arg7[%scan3A_88, %dma_wait3A] : memref<25x80xi32, #tpu.memory_space<vmem>> -> memref<1x80xi32, #tpu.memory_space<vmem>>
        %dma_wait3A_95 = tpu.memref_squeeze %dma_wait3A_94 : memref<1x80xi32, #tpu.memory_space<vmem>> -> memref<80xi32, #tpu.memory_space<vmem>>
        %dma_wait3A_96 = arith.constant 0 : i32
        %dma_wait3A_97 = arith.constant 0 : i32
        %dma_wait3A_98 = tpu.memref_slice %arg4[%dma_wait3A_96, %dma_wait3A_97] : memref<10000x128xf32, #tpu.memory_space<hbm>> -> memref<10000x128xf32, #tpu.memory_space<hbm>>
        tpu.wait_indirect_dma semaphore(%arg14 : memref<!tpu.dma_semaphore, #tpu.memory_space<semaphore_mem>>) src(%dma_wait3A_98 : memref<10000x128xf32, #tpu.memory_space<hbm>>) dst(%arg9 : memref<80x128xf32, #tpu.memory_space<vmem>>)
        "tpu.region"() ({
          %run_scoped3A = tpu.sem_alloc : memref<!tpu.dma_semaphore, #tpu.memory_space<semaphore_mem>>
          %dma_start3A_99 = arith.constant 0 : i32
          %dma_start3A_100 = tpu.memref_slice %arg8[%scan3A_88, %dma_start3A_99] : memref<25x80xi32, #tpu.memory_space<vmem>> -> memref<1x80xi32, #tpu.memory_space<vmem>>
          %dma_start3A_101 = tpu.memref_squeeze %dma_start3A_100 : memref<1x80xi32, #tpu.memory_space<vmem>> -> memref<80xi32, #tpu.memory_space<vmem>>
          %dma_start3A_102 = arith.constant 0 : i32
          %dma_start3A_103 = arith.constant 0 : i32
          %dma_start3A_104 = tpu.memref_slice %arg12[%dma_start3A_102, %dma_start3A_103] : memref<10240x128xf32, #tpu.memory_space<vmem_shared>> -> memref<10240x128xf32, #tpu.memory_space<vmem_shared>>
          tpu.enqueue_indirect_dma source(%arg9 : memref<80x128xf32, #tpu.memory_space<vmem>>) target(%dma_start3A_104 : memref<10240x128xf32, #tpu.memory_space<vmem_shared>>) offsets(%dma_start3A_101 : memref<80xi32, #tpu.memory_space<vmem>>) semaphore(%run_scoped3A : memref<!tpu.dma_semaphore, #tpu.memory_space<semaphore_mem>>) {add = true}
          %dma_wait3A_105 = arith.constant 0 : i32
          %dma_wait3A_106 = tpu.memref_slice %arg8[%scan3A_88, %dma_wait3A_105] : memref<25x80xi32, #tpu.memory_space<vmem>> -> memref<1x80xi32, #tpu.memory_space<vmem>>
          %dma_wait3A_107 = tpu.memref_squeeze %dma_wait3A_106 : memref<1x80xi32, #tpu.memory_space<vmem>> -> memref<80xi32, #tpu.memory_space<vmem>>
          %dma_wait3A_108 = arith.constant 0 : i32
          %dma_wait3A_109 = arith.constant 0 : i32
          %dma_wait3A_110 = tpu.memref_slice %arg12[%dma_wait3A_108, %dma_wait3A_109] : memref<10240x128xf32, #tpu.memory_space<vmem_shared>> -> memref<10240x128xf32, #tpu.memory_space<vmem_shared>>
          tpu.wait_indirect_dma semaphore(%run_scoped3A : memref<!tpu.dma_semaphore, #tpu.memory_space<semaphore_mem>>) src(%arg9 : memref<80x128xf32, #tpu.memory_space<vmem>>) dst(%dma_wait3A_110 : memref<10240x128xf32, #tpu.memory_space<vmem_shared>>)
          tpu.yield
        }) : () -> ()
        "tpu.region"() ({
          %run_scoped3A = tpu.sem_alloc : memref<!tpu.dma_semaphore, #tpu.memory_space<semaphore_mem>>
          %dma_start3A_99 = arith.constant 0 : i32
          %dma_start3A_100 = tpu.memref_slice %arg8[%scan3A_88, %dma_start3A_99] : memref<25x80xi32, #tpu.memory_space<vmem>> -> memref<1x80xi32, #tpu.memory_space<vmem>>
          %dma_start3A_101 = tpu.memref_squeeze %dma_start3A_100 : memref<1x80xi32, #tpu.memory_space<vmem>> -> memref<80xi32, #tpu.memory_space<vmem>>
          %dma_start3A_102 = arith.constant 0 : i32
          %dma_start3A_103 = arith.constant 0 : i32
          %dma_start3A_104 = tpu.memref_slice %arg13[%dma_start3A_102, %dma_start3A_103] : memref<10240x16xf32, #tpu.memory_space<vmem_shared>> -> memref<10240x16xf32, #tpu.memory_space<vmem_shared>>
          tpu.enqueue_indirect_dma source(%arg10 : memref<80x16xf32, #tpu.memory_space<vmem>>) target(%dma_start3A_104 : memref<10240x16xf32, #tpu.memory_space<vmem_shared>>) offsets(%dma_start3A_101 : memref<80xi32, #tpu.memory_space<vmem>>) semaphore(%run_scoped3A : memref<!tpu.dma_semaphore, #tpu.memory_space<semaphore_mem>>) {add = true}
          %dma_wait3A_105 = arith.constant 0 : i32
          %dma_wait3A_106 = tpu.memref_slice %arg8[%scan3A_88, %dma_wait3A_105] : memref<25x80xi32, #tpu.memory_space<vmem>> -> memref<1x80xi32, #tpu.memory_space<vmem>>
          %dma_wait3A_107 = tpu.memref_squeeze %dma_wait3A_106 : memref<1x80xi32, #tpu.memory_space<vmem>> -> memref<80xi32, #tpu.memory_space<vmem>>
          %dma_wait3A_108 = arith.constant 0 : i32
          %dma_wait3A_109 = arith.constant 0 : i32
          %dma_wait3A_110 = tpu.memref_slice %arg13[%dma_wait3A_108, %dma_wait3A_109] : memref<10240x16xf32, #tpu.memory_space<vmem_shared>> -> memref<10240x16xf32, #tpu.memory_space<vmem_shared>>
          tpu.wait_indirect_dma semaphore(%run_scoped3A : memref<!tpu.dma_semaphore, #tpu.memory_space<semaphore_mem>>) src(%arg10 : memref<80x16xf32, #tpu.memory_space<vmem>>) dst(%dma_wait3A_110 : memref<10240x16xf32, #tpu.memory_space<vmem_shared>>)
          tpu.yield
        }) : () -> ()
      }
      %scan3A_87 = arith.constant 25 : i32
    }
    %scan3A_71 = arith.constant 5 : i32
    %barrier3A_72 = arith.constant 0 : index
    tpu.barrier barrier_id(%barrier3A_72)
    %mul3A_73 = arith.constant 640 : i32
    %mul3A_74 = arith.muli %arg1, %mul3A_73 : i32
    %mul3A_75 = arith.constant 640 : i32
    %mul3A_76 = arith.muli %arg1, %mul3A_75 : i32
    "tpu.region"() ({
      %run_scoped3A = tpu.sem_alloc : memref<!tpu.dma_semaphore, #tpu.memory_space<semaphore_mem>>
      %dma_start3A = arith.constant 0 : i32
      %dma_start3A_81 = arith.constant 0 : i32
      %dma_start3A_82 = tpu.memref_slice %arg5[%arg0, %dma_start3A, %dma_start3A_81] : memref<2x10240x128xf32, #tpu.memory_space<hbm>> -> memref<1x10240x128xf32, #tpu.memory_space<hbm>>
      %dma_start3A_83 = tpu.memref_squeeze %dma_start3A_82 : memref<1x10240x128xf32, #tpu.memory_space<hbm>> -> memref<10240x128xf32, #tpu.memory_space<hbm>>
      %dma_start3A_84 = arith.constant 0 : i32
      %dma_start3A_85 = tpu.memref_slice %dma_start3A_83[%mul3A_76, %dma_start3A_84] : memref<10240x128xf32, #tpu.memory_space<hbm>> -> memref<640x128xf32, #tpu.memory_space<hbm>>
      %dma_start3A_86 = arith.constant 0 : i32
      %dma_start3A_87 = tpu.memref_slice %arg12[%mul3A_74, %dma_start3A_86] : memref<10240x128xf32, #tpu.memory_space<vmem_shared>> -> memref<640x128xf32, #tpu.memory_space<vmem_shared>>
      tpu.enqueue_dma source(%dma_start3A_87 : memref<640x128xf32, #tpu.memory_space<vmem_shared>>) target(%dma_start3A_85 : memref<640x128xf32, #tpu.memory_space<hbm>>) target_semaphore(%run_scoped3A : memref<!tpu.dma_semaphore, #tpu.memory_space<semaphore_mem>>)
      %dma_wait3A = arith.constant 0 : i32
      %dma_wait3A_88 = arith.constant 0 : i32
      %dma_wait3A_89 = tpu.memref_slice %arg5[%arg0, %dma_wait3A, %dma_wait3A_88] : memref<2x10240x128xf32, #tpu.memory_space<hbm>> -> memref<1x10240x128xf32, #tpu.memory_space<hbm>>
      %dma_wait3A_90 = tpu.memref_squeeze %dma_wait3A_89 : memref<1x10240x128xf32, #tpu.memory_space<hbm>> -> memref<10240x128xf32, #tpu.memory_space<hbm>>
      %dma_wait3A_91 = arith.constant 0 : i32
      %dma_wait3A_92 = tpu.memref_slice %dma_wait3A_90[%mul3A_76, %dma_wait3A_91] : memref<10240x128xf32, #tpu.memory_space<hbm>> -> memref<640x128xf32, #tpu.memory_space<hbm>>
      %dma_wait3A_93 = arith.constant 0 : i32
      %dma_wait3A_94 = tpu.memref_slice %arg12[%mul3A_74, %dma_wait3A_93] : memref<10240x128xf32, #tpu.memory_space<vmem_shared>> -> memref<640x128xf32, #tpu.memory_space<vmem_shared>>
      tpu.wait_dma2 semaphore(%run_scoped3A : memref<!tpu.dma_semaphore, #tpu.memory_space<semaphore_mem>>) src(%dma_wait3A_94 : memref<640x128xf32, #tpu.memory_space<vmem_shared>>) dst(%dma_wait3A_92 : memref<640x128xf32, #tpu.memory_space<hbm>>)
      tpu.yield
    }) : () -> ()
    %mul3A_77 = arith.constant 640 : i32
    %mul3A_78 = arith.muli %arg1, %mul3A_77 : i32
    %mul3A_79 = arith.constant 640 : i32
    %mul3A_80 = arith.muli %arg1, %mul3A_79 : i32
    "tpu.region"() ({
      %run_scoped3A = tpu.sem_alloc : memref<!tpu.dma_semaphore, #tpu.memory_space<semaphore_mem>>
      %dma_start3A = arith.constant 0 : i32
      %dma_start3A_81 = arith.constant 0 : i32
      %dma_start3A_82 = tpu.memref_slice %arg6[%arg0, %dma_start3A, %dma_start3A_81] : memref<2x10240x16xf32, #tpu.memory_space<hbm>> -> memref<1x10240x16xf32, #tpu.memory_space<hbm>>
      %dma_start3A_83 = tpu.memref_squeeze %dma_start3A_82 : memref<1x10240x16xf32, #tpu.memory_space<hbm>> -> memref<10240x16xf32, #tpu.memory_space<hbm>>
      %dma_start3A_84 = arith.constant 0 : i32
      %dma_start3A_85 = tpu.memref_slice %dma_start3A_83[%mul3A_80, %dma_start3A_84] : memref<10240x16xf32, #tpu.memory_space<hbm>> -> memref<640x16xf32, #tpu.memory_space<hbm>>
      %dma_start3A_86 = arith.constant 0 : i32
      %dma_start3A_87 = tpu.memref_slice %arg13[%mul3A_78, %dma_start3A_86] : memref<10240x16xf32, #tpu.memory_space<vmem_shared>> -> memref<640x16xf32, #tpu.memory_space<vmem_shared>>
      tpu.enqueue_dma source(%dma_start3A_87 : memref<640x16xf32, #tpu.memory_space<vmem_shared>>) target(%dma_start3A_85 : memref<640x16xf32, #tpu.memory_space<hbm>>) target_semaphore(%run_scoped3A : memref<!tpu.dma_semaphore, #tpu.memory_space<semaphore_mem>>)
      %dma_wait3A = arith.constant 0 : i32
      %dma_wait3A_88 = arith.constant 0 : i32
      %dma_wait3A_89 = tpu.memref_slice %arg6[%arg0, %dma_wait3A, %dma_wait3A_88] : memref<2x10240x16xf32, #tpu.memory_space<hbm>> -> memref<1x10240x16xf32, #tpu.memory_space<hbm>>
      %dma_wait3A_90 = tpu.memref_squeeze %dma_wait3A_89 : memref<1x10240x16xf32, #tpu.memory_space<hbm>> -> memref<10240x16xf32, #tpu.memory_space<hbm>>
      %dma_wait3A_91 = arith.constant 0 : i32
      %dma_wait3A_92 = tpu.memref_slice %dma_wait3A_90[%mul3A_80, %dma_wait3A_91] : memref<10240x16xf32, #tpu.memory_space<hbm>> -> memref<640x16xf32, #tpu.memory_space<hbm>>
      %dma_wait3A_93 = arith.constant 0 : i32
      %dma_wait3A_94 = tpu.memref_slice %arg13[%mul3A_78, %dma_wait3A_93] : memref<10240x16xf32, #tpu.memory_space<vmem_shared>> -> memref<640x16xf32, #tpu.memory_space<vmem_shared>>
      tpu.wait_dma2 semaphore(%run_scoped3A : memref<!tpu.dma_semaphore, #tpu.memory_space<semaphore_mem>>) src(%dma_wait3A_94 : memref<640x16xf32, #tpu.memory_space<vmem_shared>>) dst(%dma_wait3A_92 : memref<640x16xf32, #tpu.memory_space<hbm>>)
      tpu.yield
    }) : () -> ()
    return
  }
}

module attributes {stable_mosaic.version = 14 : i64} {
  func.func @_tc_combine(%arg0: i32, %arg1: memref<2000x128xf32, #tpu.memory_space<vmem>>, %arg2: memref<2x2000x128xf32, #tpu.memory_space<vmem>>, %arg3: memref<2x2000x16xf32, #tpu.memory_space<vmem>>, %arg4: memref<128x128xf32, #tpu.memory_space<vmem>>, %arg5: memref<128x128xf32, #tpu.memory_space<vmem>>, %arg6: memref<8x128xf32, #tpu.memory_space<vmem>>, %arg7: memref<2000x128xf32, #tpu.memory_space<vmem>>) attributes {dimension_semantics = [#tpu.dimension_semantics<arbitrary>], iteration_bounds = array<i64: 5>, scalar_prefetch = 0 : i64, scratch_operands = 0 : i64, tpu.core_type = #tpu.core_type<tc>, window_params = [{transform_indices = @transform_0, window_bounds = array<i64: 2000, 128>}, {transform_indices = @transform_1, window_bounds = array<i64: 2, 2000, 128>}, {transform_indices = @transform_2, window_bounds = array<i64: 2, 2000, 16>}, {pipeline_mode = #tpu.pipeline_mode<synchronous>, transform_indices = @transform_3, window_bounds = array<i64: 128, 128>}, {pipeline_mode = #tpu.pipeline_mode<synchronous>, transform_indices = @transform_4, window_bounds = array<i64: 128, 128>}, {pipeline_mode = #tpu.pipeline_mode<synchronous>, transform_indices = @transform_5, window_bounds = array<i64: 8, 128>}, {transform_indices = @transform_6, window_bounds = array<i64: 2000, 128>}]} {
    %get3A = arith.constant 0 : index
    %get3A_0 = arith.constant 0 : index
    %get3A_1 = arith.constant 0 : index
    %get3A_2 = vector.load %arg2[%get3A, %get3A_0, %get3A_1] : memref<2x2000x128xf32, #tpu.memory_space<vmem>>, vector<1x2000x128xf32>
    %get3A_3 = vector.shape_cast %get3A_2 : vector<1x2000x128xf32> to vector<2000x128xf32>
    %get3A_4 = arith.constant 1 : index
    %get3A_5 = arith.constant 0 : index
    %get3A_6 = arith.constant 0 : index
    %get3A_7 = vector.load %arg2[%get3A_4, %get3A_5, %get3A_6] : memref<2x2000x128xf32, #tpu.memory_space<vmem>>, vector<1x2000x128xf32>
    %get3A_8 = vector.shape_cast %get3A_7 : vector<1x2000x128xf32> to vector<2000x128xf32>
    %add3A = arith.addf %get3A_3, %get3A_8 : vector<2000x128xf32>
    %get3A_9 = arith.constant 0 : index
    %get3A_10 = arith.constant 0 : index
    %get3A_11 = arith.constant 0 : index
    %get3A_12 = vector.load %arg3[%get3A_9, %get3A_10, %get3A_11] : memref<2x2000x16xf32, #tpu.memory_space<vmem>>, vector<2x2000x16xf32>
    %reduce_sum3A = arith.constant dense<0.000000e+00> : vector<2000xf32>
    %reduce_sum3A_13 = vector.multi_reduction <add>, %get3A_12, %reduce_sum3A [0, 2] : vector<2x2000x16xf32> to vector<2000xf32>
    %mul3A = arith.constant 6.250000e-02 : f32
    %mul3A_14 = vector.broadcast %mul3A : f32 to vector<2000xf32>
    %mul3A_15 = arith.mulf %reduce_sum3A_13, %mul3A_14 : vector<2000xf32>
    %max3A = arith.constant 1.000000e+00 : f32
    %max3A_16 = vector.broadcast %max3A : f32 to vector<2000xf32>
    %max3A_17 = arith.maximumf %mul3A_15, %max3A_16 : vector<2000xf32>
    %div3A = arith.constant 1.000000e+00 : f32
    %div3A_18 = vector.broadcast %div3A : f32 to vector<2000xf32>
    %div3A_19 = arith.divf %div3A_18, %max3A_17 : vector<2000xf32>
    %broadcast_in_dim3A = vector.shape_cast %div3A_19 : vector<2000xf32> to vector<2000x1xf32>
    %mul3A_20 = vector.broadcast %broadcast_in_dim3A : vector<2000x1xf32> to vector<2000x128xf32>
    %mul3A_21 = arith.mulf %add3A, %mul3A_20 : vector<2000x128xf32>
    %get3A_22 = arith.constant 0 : index
    %get3A_23 = arith.constant 0 : index
    %get3A_24 = vector.load %arg1[%get3A_22, %get3A_23] : memref<2000x128xf32, #tpu.memory_space<vmem>>, vector<2000x128xf32>
    %get3A_25 = arith.constant 0 : index
    %get3A_26 = arith.constant 0 : index
    %get3A_27 = vector.load %arg4[%get3A_25, %get3A_26] : memref<128x128xf32, #tpu.memory_space<vmem>>, vector<128x128xf32>
    %dot_general3A = arith.constant dense<0.000000e+00> : vector<2000x128xf32>
    %dot_general3A_28 = tpu.matmul %get3A_24, %get3A_27, %dot_general3A {dimension_numbers = #tpu.dot_dimension_numbers<[1], [0], [0], [1], [0, 0, 1, 1], [], []>, transpose_lhs_hint = false} : vector<2000x128xf32>, vector<128x128xf32>, vector<2000x128xf32> -> vector<2000x128xf32>
    %get3A_29 = arith.constant 0 : index
    %get3A_30 = arith.constant 0 : index
    %get3A_31 = vector.load %arg5[%get3A_29, %get3A_30] : memref<128x128xf32, #tpu.memory_space<vmem>>, vector<128x128xf32>
    %dot_general3A_32 = arith.constant dense<0.000000e+00> : vector<2000x128xf32>
    %dot_general3A_33 = tpu.matmul %mul3A_21, %get3A_31, %dot_general3A_32 {dimension_numbers = #tpu.dot_dimension_numbers<[1], [0], [0], [1], [0, 0, 1, 1], [], []>, transpose_lhs_hint = false} : vector<2000x128xf32>, vector<128x128xf32>, vector<2000x128xf32> -> vector<2000x128xf32>
    %add3A_34 = arith.addf %dot_general3A_28, %dot_general3A_33 : vector<2000x128xf32>
    %get3A_35 = arith.constant 0 : index
    %get3A_36 = arith.constant 0 : index
    %get3A_37 = vector.load %arg6[%get3A_35, %get3A_36] : memref<8x128xf32, #tpu.memory_space<vmem>>, vector<1x128xf32>
    %get3A_38 = vector.shape_cast %get3A_37 : vector<1x128xf32> to vector<128xf32>
    %broadcast_in_dim3A_39 = vector.shape_cast %get3A_38 : vector<128xf32> to vector<1x128xf32>
    %add3A_40 = vector.broadcast %broadcast_in_dim3A_39 : vector<1x128xf32> to vector<2000x128xf32>
    %add3A_41 = arith.addf %add3A_34, %add3A_40 : vector<2000x128xf32>
    %swap3A = arith.constant 0 : index
    %swap3A_42 = arith.constant 0 : index
    %swap3A_43 = vector.load %arg7[%swap3A, %swap3A_42] : memref<2000x128xf32, #tpu.memory_space<vmem>>, vector<2000x128xf32>
    tpu.vector_store %arg7[%swap3A, %swap3A_42], %add3A_41 {strides = array<i32>} : memref<2000x128xf32, #tpu.memory_space<vmem>>, vector<2000x128xf32>,
    return
  }
  func.func @transform_0(%arg0: i32) -> (i32, i32) {
    %c0_i32 = arith.constant 0 : i32
    %c0_i32_0 = arith.constant 0 : i32
    return %arg0, %c0_i32 : i32, i32
  }
  func.func @transform_1(%arg0: i32) -> (i32, i32, i32) {
    %c0_i32 = arith.constant 0 : i32
    %c0_i32_0 = arith.constant 0 : i32
    %c0_i32_1 = arith.constant 0 : i32
    return %c0_i32, %arg0, %c0_i32_0 : i32, i32, i32
  }
  func.func @transform_2(%arg0: i32) -> (i32, i32, i32) {
    %c0_i32 = arith.constant 0 : i32
    %c0_i32_0 = arith.constant 0 : i32
    %c0_i32_1 = arith.constant 0 : i32
    return %c0_i32, %arg0, %c0_i32_0 : i32, i32, i32
  }
  func.func @transform_3(%arg0: i32) -> (i32, i32) {
    %c0_i32 = arith.constant 0 : i32
    %c0_i32_0 = arith.constant 0 : i32
    %c0_i32_1 = arith.constant 0 : i32
    return %c0_i32, %c0_i32_0 : i32, i32
  }
  func.func @transform_4(%arg0: i32) -> (i32, i32) {
    %c0_i32 = arith.constant 0 : i32
    %c0_i32_0 = arith.constant 0 : i32
    %c0_i32_1 = arith.constant 0 : i32
    return %c0_i32, %c0_i32_0 : i32, i32
  }
  func.func @transform_5(%arg0: i32) -> (i32, i32) {
    %c0_i32 = arith.constant 0 : i32
    %c0_i32_0 = arith.constant 0 : i32
    %c0_i32_1 = arith.constant 0 : i32
    return %c0_i32, %c0_i32_0 : i32, i32
  }
  func.func @transform_6(%arg0: i32) -> (i32, i32) {
    %c0_i32 = arith.constant 0 : i32
    %c0_i32_0 = arith.constant 0 : i32
    return %arg0, %c0_i32 : i32, i32
  }
}

</mosaic_0001>

<sc_bundles>
// kernel: kernel.4.cloned.1.call-start
scs
__scs_entry_jumppad:
0x0: {  	(pc) =	sbr.rel $0x88, $3  }
0x1: {  	(tag) =	ssettag $0x0;
	lr =	simm.s32 $0x1  }
0x2: {  	[smem:$0x3F9C] =	sst lr;
	_ =	strace $0xD0000000  }
0x3: {  	_ = 	snop  }
0x4: {  	_ = 	snop  }
0x5: {  	_ = 	snop  }
0x6: {  	_ = 	snop  }
0x7: {  	_ = 	snop  }
__scs_overlays_trampoline_lowered:
0x8: {  	[smem:$0x3FAB] =	sst s0  }
0x9: {  	[smem:$0x3FAC] =	sst s1  }
0xa: {  	[smem:$0x3FAD] =	sst s2  }
0xb: {  	[smem:$0x3FAE] =	sst s3  }
0xc: {  	[smem:$0x3FAF] =	sst s4  }
0xd: {  	[smem:$0x3FB0] =	sst s5  }
0xe: {  	[smem:$0x3FB1] =	sst s6  }
0xf: {  	[smem:$0x3FB2] =	sst s7  }
0x10: {  	[smem:$0x3FB3] =	sst s8  }
0x11: {  	[smem:$0x3FB4] =	sst s9;
	s0 =	simm.s32 @!p0 $0x0  }
0x12: {  	s1 =	sld [smem:$0x3F9A];
	s0 =	simm.s32 @p0 $0x1  }
0x13: {  	[smem:$0x3FB5] =	sst s0;
	s0 =	simm.s32 @!p1 $0x0  }
0x14: {  	s2 =	sld [smem:$0x3F99];
	s0 =	simm.s32 @p1 $0x1  }
0x15: {  	[smem:$0x3FB6] =	sst s0;
	s0 =	simm.s32 @!p2 $0x0  }
0x16: {  	s3 =	sld [smem:$0x3FDB];
	s0 =	simm.s32 @p2 $0x1  }
0x17: {  	s4 =	simm.s32 $0x1BF5;
	[smem:$0x3FB8] =	sst s0  }
0x18: {  	s0 =	sld [smem:$0x3F9B];
	_ =	swait.ge [sflag:s4], $0x0  }
0x19: {  	s7 =	sld [smem:$0x3F9C]  }
0x1a: {  	s8 =	sadd.s32 $0xFFFFE003, lr  }
0x1b: {  	s9 =	sadd.s32 $0xFFFFFEF7, lr;
	s5 =	simm.s32 $0xFFFFFFFF;
	p2 =	slt.u32 s8, $0xFFFFF086  }
0x1c: {  	p1 =	slt.u32 s9, $0xF7A;
	s5 =	simm.s32 @!p2 $0x0  }
0x1d: {  	s5 =	simm.s32 @p1 $0x1;
	p0 =	seq.s32 s7, s2  }
0x1e: {  	s7 =	smul.u32 @!p0 $0xF7A, s2;
	p2 =	seq.s32 @!p0 s5, $0x0  }
0x1f: {  	s9 =	smul.u32 $0xF7A, s1;
	s8 =	simm.s32 @!p0 $0x1BF5;
	p2 =	por !p2, p0  }
0x20: {  	[sflag:s8] =	ssyncset.s32 @!p0 $0xFFFFF086;
	s6 =	sadd.s32 @!p0 s3, s7;
	s7 =	simm.s32 @!p0 $0x108  }
0x21: {  	s3 =	sadd.s32 s3, s9;
	s6 =	sadd.s32 @!p0 $0x88, s6;
	s7 =	simm.s32 @p2 $0x1082  }
0x22: {  	[simem:s7], [sflag:s8] =	dma.local @!p0 [hbm:s6], $0xF7A  }
0x23: {  	s9 =	sor.u32 $0xD0000000, s2;
	s6 =	simm.s32 $0x108;
	_ =	swait.ge @!p0 [sflag:s8], $0x0  }
0x24: {  	s3 =	sadd.s32 $0x88, s3;
	s6 =	simm.s32 @!p1 $0x1082;
	[sflag:s4] =	ssyncset.s32 $0xFFFFF086  }
0x25: {  	[simem:s6], [sflag:s4] =	dma.local [hbm:s3], $0xF7A  }
0x26: {  	[smem:$0x3F9C] =	sst s1;
	(tag) =	ssettag s2;
	_ =	strace s9  }
0x27: {  	s1 =	sld [smem:$0x3FAC]  }
0x28: {  	s2 =	sld [smem:$0x3FAD]  }
0x29: {  	s4 =	sld [smem:$0x3FAF]  }
0x2a: {  	p0 =	seq.s32 s5, $0x0;
	s5 =	sld [smem:$0x3FB0]  }
0x2b: {  	s6 =	sld [smem:$0x3FB1]  }
0x2c: {  	s7 =	sld [smem:$0x3FB2]  }
0x2d: {  	s3 =	simm.s32 $0x108;
	s8 =	sld [smem:$0x3FB3]  }
0x2e: {  	s3 =	simm.s32 @!p0 $0x1082;
	s9 =	sld [smem:$0x3FB4]  }
0x2f: {  	lr =	sadd.s32 s0, s3;
	s0 =	sld [smem:$0x3FAB]  }
0x30: {  	s3 =	sld [smem:$0x3FAE]  }
0x31: {  	[smem:$0x3FB7] =	sst s10  }
0x32: {  	s10 =	sld [smem:$0x3FB5];
	_ =	sdelay $0x3  }
0x33: {  	p0 =	seq.s32 s10, $0x1;
	s10 =	sld [smem:$0x3FB7];
	_ =	sdelay $0x3  }
0x34: {  	[smem:$0x3FB7] =	sst s10  }
0x35: {  	s10 =	sld [smem:$0x3FB6];
	_ =	sdelay $0x3  }
0x36: {  	p1 =	seq.s32 s10, $0x1;
	s10 =	sld [smem:$0x3FB7];
	_ =	sdelay $0x3  }
0x37: {  	[smem:$0x3FB7] =	sst s10  }
0x38: {  	s10 =	sld [smem:$0x3FB8]  }
0x39: {  	_ = 	snop;
	(pc) =	sbr.ind lr, $3  }
0x3a: {  	_ = 	snop  }
0x3b: {  	_ = 	snop  }
0x3c: {  	p2 =	seq.s32 s10, $0x1;
	s10 =	sld [smem:$0x3FB7]  }
0x3d: {  	_ =	shalt  }
0x3e: {  	_ =	shalt  }
0x3f: {  	_ =	shalt  }
0x40: {  	_ =	shalt  }
0x41: {  	_ =	shalt  }
0x42: {  	_ =	shalt  }
0x43: {  	_ =	shalt  }
0x44: {  	_ =	shalt  }
0x45: {  	_ =	shalt  }
0x46: {  	_ =	shalt  }
0x47: {  	_ =	shalt  }
0x48: {  	_ =	shalt  }
0x49: {  	_ =	shalt  }
0x4a: {  	_ =	shalt  }
0x4b: {  	_ =	shalt  }
0x4c: {  	_ =	shalt  }
0x4d: {  	_ =	shalt  }
0x4e: {  	_ =	shalt  }
0x4f: {  	_ =	shalt  }
0x50: {  	_ =	shalt  }
0x51: {  	_ =	shalt  }
0x52: {  	_ =	shalt  }
0x53: {  	_ =	shalt  }
0x54: {  	_ =	shalt  }
0x55: {  	_ =	shalt  }
0x56: {  	_ =	shalt  }
0x57: {  	_ =	shalt  }
0x58: {  	_ =	shalt  }
0x59: {  	_ =	shalt  }
0x5a: {  	_ =	shalt  }
0x5b: {  	_ =	shalt  }
0x5c: {  	_ =	shalt  }
0x5d: {  	_ =	shalt  }
0x5e: {  	_ =	shalt  }
0x5f: {  	_ =	shalt  }
0x60: {  	_ =	shalt  }
0x61: {  	_ =	shalt  }
0x62: {  	_ =	shalt  }
0x63: {  	_ =	shalt  }
0x64: {  	_ =	shalt  }
0x65: {  	_ =	shalt  }
0x66: {  	_ =	shalt  }
0x67: {  	_ =	shalt  }
0x68: {  	_ =	shalt  }
0x69: {  	_ =	shalt  }
0x6a: {  	_ =	shalt  }
0x6b: {  	_ =	shalt  }
0x6c: {  	_ =	shalt  }
0x6d: {  	_ =	shalt  }
0x6e: {  	_ =	shalt  }
0x6f: {  	_ =	shalt  }
0x70: {  	_ =	shalt  }
0x71: {  	_ =	shalt  }
0x72: {  	_ =	shalt  }
0x73: {  	_ =	shalt  }
0x74: {  	_ =	shalt  }
0x75: {  	_ =	shalt  }
0x76: {  	_ =	shalt  }
0x77: {  	_ =	shalt  }
0x78: {  	_ =	shalt  }
0x79: {  	_ =	shalt  }
0x7a: {  	_ =	shalt  }
0x7b: {  	_ =	shalt  }
0x7c: {  	_ =	shalt  }
0x7d: {  	_ =	shalt  }
0x7e: {  	_ =	shalt  }
0x7f: {  	_ =	shalt  }
0x80: {  	_ =	shalt  }
0x81: {  	_ =	shalt  }
0x82: {  	_ =	shalt  }
0x83: {  	_ =	shalt  }
0x84: {  	_ =	shalt  }
0x85: {  	_ =	shalt  }
0x86: {  	_ =	shalt  }
0x87: {  	_ =	shalt  }
.Lfunc_end0:
.L_simem_size_0:
called_computation_lowered:
.L_overlay_start_0:
0x88: {  	s2 =	sld [smem:$0x3FD9]  }
0x89: {  	s3 =	sld [smem:$0x3FFE];
	_ =	sdelay $0x1  }
0x8a: {  	s1 =	srdreg.scid  }
0x8b: {  	s0 =	sand.u32 $0x1, s1  }
0x8c: {  	s17 =	sshll.u32 s0, $0xA;
	s2 =	sadd.s32 s3, s2  }
0x8d: {  	s2 =	sadd.s32 s2, s17  }
0x8e: {  	[smem:$0x3FC3] =	sst s2  }
0x8f: {  	_ = 	snop  }
0x90: {  	s2 =	sld [smem:$0x3FC9]  }
0x91: {  	s18 =	sld [smem:$0x3FD0];
	(tm) =	ssettm $0x1  }
0x92: {  	s4 =	sld [smem:$0x3FFB];
	_ =	sdelay $0x3  }
0x93: {  	_ =	strace s4  }
0x94: {  	s4 =	sld [smem:$0x3FFC];
	_ =	sdelay $0x3  }
0x95: {  	_ =	strace s4  }
0x96: {  	s4 =	sld [smem:$0x3FFD];
	_ =	sdelay $0x3  }
0x97: {  	_ =	strace s4  }
0x98: {  	_ =	strace $0x8FFFFFFF  }
0x99: {  	s19 =	sld [smem:$0x3FDB];
	_ =	sdelay $0x1  }
0x9a: {  	s5 =	simm.s32 $_scs_section_size  }
0x9b: {  	s6 =	simm.s32 $_size__tile_overlayer_lowered;
	s7 =	simm.s32 $_tile_overlayer_lowered  }
0x9c: {  	s22 =	simm.s32 $0x1BFF;
	s21 =	sshll.u32 s7, $0x1;
	s4 =	sadd.s32 s5, s19  }
0x9d: {  	s8 =	simm.s32 $0x0;
	s20 =	sshll.u32 s6, $0x1;
	s6 =	sadd.s32 s21, s4  }
0x9e: {  	[timem:s8], [sflag:s22] =	dma.local [hbm:s6], s20  }
0x9f: {  	_ =	swait.ge [sflag:s22], s20  }
0xa0: {  	s5 =	ssub.s32 $0x0, s20;
	[sflag:s22] =	ssyncset.done $0x0  }
0xa1: {  	[sflag:s22] =	ssyncadd.s32 s5;
	_ =	sdelay $0x1  }
0xa2: {  	s23 =	simm.s32 $0x1B8B  }
0xa3: {  	_ =	swait.ge [sflag:s23], $0x1  }
0xa4: {  	[sflag:s23] =	ssyncset.done $0x0  }
0xa5: {  	s25 =	simm.s32 $0x1B8E;
	s24 =	sld [smem:$0x3FFE];
	[sflag:s23] =	ssyncadd.s32 $0xFFFFFFFF  }
0xa6: {  	s26 =	simm.s32 $execute0_lowered;
	[smem:$0x3FD2] =	sst s25  }
0xa7: {  	s6 =	sshll.u32 s26, $0x1;
	_ =	strace $0x80000046;
	[dreg:$0x1] =	wrdreg $0xFFFFFFFF  }
0xa8: {  	s28 =	simm.s32 $_size_execute0_lowered;
	s4 =	sadd.s32 s4, s6;
	[dreg:$0x0] =	wrdreg $0x0  }
0xa9: {  	s6 =	sshll.u32 s28, $0x1;
	[dreg:$0x2] =	wrdreg s4  }
0xaa: {  	[dreg:$0x3] =	wrdreg s6  }
0xab: {  	[dreg:$0x4] =	wrdreg $0xC0  }
0xac: {  	_ =	task [dreg:s8], $0x5FFFF  }
0xad: {  	[dreg:$0x1] =	wrdreg $0xFFFFFFFF  }
0xae: {  	[dreg:$0x0] =	wrdreg $0x60  }
0xaf: {  	[dreg:$0x2] =	wrdreg s24  }
0xb0: {  	[dreg:$0x3] =	wrdreg s2  }
0xb1: {  	[dreg:$0x4] =	wrdreg s18  }
0xb2: {  	[dreg:$0x5] =	wrdreg $0x46A00  }
0xb3: {  	[dreg:$0x6] =	wrdreg $0x186A00  }
0xb4: {  	[dreg:$0x7] =	wrdreg $0x9  }
0xb5: {  	_ =	task.clear_ibuf [dreg:s8], $0x8FFFF;
	_ =	strace $0x90000046  }
0xb6: {  	s29 =	simm.s32 $0x9;
	_ =	strace $0x80000048  }
0xb7: {  	_ =	swait.ge [sflag:s29], $0x1  }
0xb8: {  	[sflag:s29] =	ssyncadd.s32 $0xFFFFFFFF  }
0xb9: {  	_ =	strace $0x90000048  }
0xba: {  	_ =	sfence  }
0xbb: {  	s30 =	sld [smem:$0x0];
	_ =	sdelay $0x2  }
0xbc: {  	s31 =	sshll.u32 s1, $0xD;
	s1 =	sshrl.u32 s1, $0x2  }
0xbd: {  	s3 =	sand.u32 $0x4000, s31;
	s1 =	sadd.s32 s1, s30  }
0xbe: {  	s0 =	sor.u32 s3, s0;
	s1 =	sshll.u32 s1, $0x11  }
0xbf: {  	s0 =	sor.u32 s1, s0  }
0xc0: {  	s0 =	sadd.s32 $0x8F2B, s0  }
0xc1: {  	[sflag:s0] =	ssyncadd.remote.s32 $0x1  }
0xc2: {  	_ =	sfence.sel $0xFFFF  }
0xc3: {  	[dreg:$0x0] =	wrdreg $0xFFFFFFFF;
	(pc) =	sbr.abs _section_cstart, $3  }
0xc4: {  	[dreg:$0x1] =	wrdreg $0xFFFFFFFF  }
0xc5: {  	_ =	task.clear_ibuf [dreg:s8], $0x2FFFF;
	_ =	strace $0x9FFFFFFF  }
0xc6: {  	(tm) =	ssettm $0x7FFFFFFF  }
0xc7: {  	_ =	shalt  }
tec
execute0_lowered:
.L_overlay_start_1:
0x0: {  	(tag) =	ssettag $0x1  }
0x1: {  	s0 =	rddreg [dreg:$0x0]  }
0x2: {  	s1 =	rddreg [dreg:$0x1]  }
0x3: {  	s5 =	rddreg [dreg:$0x2]  }
0x4: {  	s2 =	rddreg [dreg:$0x3];
	s16 =	stileid.u32  }
0x5: {  	s3 =	rddreg [dreg:$0x4];
	s10 =	smul.u32 $0x50000, s16  }
0x6: {  	s4 =	simm.s32 $0x0;
	s6 =	srdreg.scid;
	s13 =	smul.u32 $0x280, s16  }
0x7: {  	s28 =	simm.s32 $0x7D0;
	s29 =	simm.s32 $0x50;
	s21 =	smul.u32 $0x14000, s16  }
0x8: {  	s30 =	simm.s32 $0x1;
	s9 =	sand.u32 $0x1, s6;
	s15 =	smul.u32 $0x2710, s16  }
0x9: {  	s31 =	simm.s32 $0x37A0;
	[smem:$0x7FF] =	sst s4;
	s8 =	smul.u32 $0x28000, s9  }
0xa: {  	s6 =	sadd.s32 $0xAE00, s0;
	s7 =	sadd.s32 $0x1000, s0;
	s14 =	smul.u32 $0x27100, s9  }
0xb: {  	_ =	strace $0x80000047;
	s23 =	ssub.s32 $0x2, s9;
	s9 =	smul.u32 $0x5000, s9  }
0xc: {  	s11 =	sshrl.u32 s23, $0x1;
	s10 =	sshrl.u32 s10, $0x2;
	s18 =	sadd.s32 $0xA0, s13  }
0xd: {  	s19 =	sadd.s32 $0x140, s13;
	s20 =	sadd.s32 $0x1E0, s13;
	s0 =	sadd.s32 s8, s0  }
0xe: {  	s22 =	ssub.s32 s23, s11;
	s10 =	sadd.s32 s10, s2;
	s8 =	sadd.s32 s21, s2  }
0xf: {  	s25 =	sshll.u32 s18, $0x7;
	s12 =	sshll.u32 s19, $0x7;
	s23 =	smul.u32 $0x2800, s16  }
0x10: {  	s17 =	sshll.u32 s20, $0x7;
	s13 =	sadd.s32 s15, s14;
	s5 =	sadd.s32 s5, s9  }
0x11: {  	s18 =	sshll.u32 s18, $0x4;
	s19 =	sshll.u32 s19, $0x4;
	s24 =	sadd.s32 $0x2800, s10  }
0x12: {  	s11 =	sadd.s32 s25, s2;
	s26 =	sadd.s32 $0x7800, s10;
	s12 =	sadd.s32 s12, s2  }
0x13: {  	s14 =	sadd.s32 $0xC800, s10;
	s15 =	sadd.s32 s17, s2;
	[dreg:$0x6] =	wrdreg s24  }
0x14: {  	s16 =	sadd.s32 $0x11800, s10;
	s18 =	sadd.s32 s18, s3;
	[dreg:$0x7] =	wrdreg s11  }
0x15: {  	s19 =	sadd.s32 s19, s3;
	s0 =	sadd.s32 $0x14C00, s0;
	[dreg:$0x8] =	wrdreg s26  }
0x16: {  	s25 =	sshrl.u32 s21, $0x3;
	s21 =	smax.u32 s22, $0x1;
	[dreg:$0x9] =	wrdreg s12  }
0x17: {  	s17 =	sadd.s32 s23, s3;
	s24 =	sshll.u32 s20, $0x4;
	s26 =	sshrl.u32 s23, $0x3  }
0x18: {  	s22 =	sadd.s32 s25, s0;
	s23 =	simm.s32 $0xFA0;
	s25 =	simm.s32 $0x2  }
0x19: {  	v0 =	vimm.f32 $1.000000000e+00;
	v1 =	vimm.f32 $0.0e+00;
	s20 =	sadd.s32 s24, s3;
	s24 =	sadd.s32 s26, s5;
	s26 =	simm.s32 $0x3CA0  }
.LBB2_1:
0x1a: {  	s0 =	simm.s32 $0x40;
	s5 =	simm.s32 $0x0  }
.LBB2_2:
0x1b: {  	p0 =	sne.s32 s0, $0x13C0;
	[tilespmem:s5+$0x37A0] =	vst v0;
	s5 =	smov.u32 s0;
	s0 =	sadd.s32 $0x40, s0  }
.Ltmp0:
0x1c: {  	(pc) =	sbr.rel @p0 .LBB2_2-.Ltmp0, $2  }
0x1d: {  	_ =	sdelay $0x2  }
0x1e: {  	s5 =	sshra.s32 s5, $0x2  }
0x1f: {  	s0 =	simm.s32 $0x0  }
0x20: {  	s9 =	sand.u32 $0xFE00, s0  }
0x21: {  	s10 =	sand.u32 $0x70, s0;
	s9 =	sshrl.u32 s9, $0x2  }
0x22: {  	[tilespmem:s5+$0x37A0] =	vst v0;
	s5 =	simm.s32 $0x40;
	s9 =	sor.u32 s10, s9  }
.LBB2_4:
0x23: {  	p0 =	sne.s32 s5, $0x9FC0  }
0x24: {  	[tilespmem:s9+$0xFA0] =	vst v1;
	s0 =	sadd.s32 $0x10, s0;
	s9 =	smov.u32 s5;
	s5 =	sadd.s32 $0x40, s5  }
.Ltmp1:
0x25: {  	(pc) =	sbr.rel @p0 .LBB2_4-.Ltmp1, $4  }
0x26: {  	_ = 	snop  }
0x27: {  	s9 =	sand.u32 $0xFE00, s9  }
0x28: {  	s10 =	sand.u32 $0x70, s0;
	s9 =	sshrl.u32 s9, $0x2  }
0x29: {  	s9 =	sor.u32 s10, s9  }
0x2a: {  	[tilespmem:s9+$0xFA0] =	vst v1;
	s0 =	simm.s32 $0x40;
	s5 =	simm.s32 $0x0  }
.LBB2_6:
0x2b: {  	p0 =	sne.s32 s0, $0x27C0;
	[tilespmem:s5+$0x3CA0] =	vst v1;
	s5 =	smov.u32 s0;
	s0 =	sadd.s32 $0x40, s0  }
.Ltmp2:
0x2c: {  	(pc) =	sbr.rel @p0 .LBB2_6-.Ltmp2, $2  }
0x2d: {  	_ =	sdelay $0x2  }
0x2e: {  	s5 =	sshra.s32 s5, $0x2  }
0x2f: {  	[tilespmem:s5+$0x3CA0] =	vst v1  }
0x30: {  	[spmem:s8] =	stream.linear.scatter [tilespmem:s23], [sflag:$0x2], $0x2800, $0x38;
	[tilespmem:$0x1AEA0] =	vst v63  }
0x31: {  	_ =	swait.ge [sflag:s25], $0x2800  }
0x32: {  	[sflag:s25] =	ssyncset.done $0x0  }
0x33: {  	s0 =	rddreg [dreg:$0x6];
	[sflag:s25] =	ssyncadd.s32 $0xFFFFD800  }
0x34: {  	[spmem:s0] =	stream.linear.scatter [tilespmem:s23], [sflag:$0x2], $0x2800, $0x38;
	[tilespmem:$0x1AEA0] =	vst v63  }
0x35: {  	_ =	swait.ge [sflag:s25], $0x2800  }
0x36: {  	[sflag:s25] =	ssyncset.done $0x0  }
0x37: {  	s10 =	rddreg [dreg:$0x7];
	[sflag:s25] =	ssyncadd.s32 $0xFFFFD800  }
0x38: {  	[spmem:s10] =	stream.linear.scatter [tilespmem:s23], [sflag:$0x2], $0x2800, $0x38;
	[tilespmem:$0x1AEA0] =	vst v63  }
0x39: {  	_ =	swait.ge [sflag:s25], $0x2800  }
0x3a: {  	[sflag:s25] =	ssyncset.done $0x0  }
0x3b: {  	s11 =	rddreg [dreg:$0x8];
	[sflag:s25] =	ssyncadd.s32 $0xFFFFD800  }
0x3c: {  	[spmem:s11] =	stream.linear.scatter [tilespmem:s23], [sflag:$0x2], $0x2800, $0x38;
	[tilespmem:$0x1AEA0] =	vst v63  }
0x3d: {  	_ =	swait.ge [sflag:s25], $0x2800  }
0x3e: {  	[sflag:s25] =	ssyncset.done $0x0  }
0x3f: {  	s12 =	rddreg [dreg:$0x9];
	[sflag:s25] =	ssyncadd.s32 $0xFFFFD800  }
0x40: {  	[spmem:s12] =	stream.linear.scatter [tilespmem:s23], [sflag:$0x2], $0x2800, $0x38;
	[tilespmem:$0x1AEA0] =	vst v63  }
0x41: {  	_ =	swait.ge [sflag:s25], $0x2800  }
0x42: {  	[sflag:s25] =	ssyncset.done $0x0  }
0x43: {  	[sflag:s25] =	ssyncadd.s32 $0xFFFFD800  }
0x44: {  	[spmem:s14] =	stream.linear.scatter [tilespmem:s23], [sflag:$0x2], $0x2800, $0x38;
	[tilespmem:$0x1AEA0] =	vst v63  }
0x45: {  	_ =	swait.ge [sflag:s25], $0x2800  }
0x46: {  	[sflag:s25] =	ssyncset.done $0x0  }
0x47: {  	[sflag:s25] =	ssyncadd.s32 $0xFFFFD800  }
0x48: {  	[spmem:s15] =	stream.linear.scatter [tilespmem:s23], [sflag:$0x2], $0x2800, $0x38;
	[tilespmem:$0x1AEA0] =	vst v63  }
0x49: {  	_ =	swait.ge [sflag:s25], $0x2800  }
0x4a: {  	[sflag:s25] =	ssyncset.done $0x0  }
0x4b: {  	[sflag:s25] =	ssyncadd.s32 $0xFFFFD800  }
0x4c: {  	[spmem:s16] =	stream.linear.scatter [tilespmem:s23], [sflag:$0x2], $0x2800, $0x38;
	[tilespmem:$0x1AEA0] =	vst v63  }
0x4d: {  	_ =	swait.ge [sflag:s25], $0x2800  }
0x4e: {  	[sflag:s25] =	ssyncset.done $0x0  }
0x4f: {  	[sflag:s25] =	ssyncadd.s32 $0xFFFFD800  }
0x50: {  	[spmem:s17] =	stream.linear.scatter [tilespmem:s26], [sflag:$0x2], $0xA00, $0x38;
	[tilespmem:$0x1AEA0] =	vst v63  }
0x51: {  	_ =	swait.ge [sflag:s25], $0xA00  }
0x52: {  	[sflag:s25] =	ssyncset.done $0x0  }
0x53: {  	[sflag:s25] =	ssyncadd.s32 $0xFFFFF600  }
0x54: {  	[spmem:s18] =	stream.linear.scatter [tilespmem:s26], [sflag:$0x2], $0xA00, $0x38;
	[tilespmem:$0x1AEA0] =	vst v63  }
0x55: {  	_ =	swait.ge [sflag:s25], $0xA00  }
0x56: {  	[sflag:s25] =	ssyncset.done $0x0  }
0x57: {  	[sflag:s25] =	ssyncadd.s32 $0xFFFFF600  }
0x58: {  	[spmem:s19] =	stream.linear.scatter [tilespmem:s26], [sflag:$0x2], $0xA00, $0x38;
	[tilespmem:$0x1AEA0] =	vst v63  }
0x59: {  	_ =	swait.ge [sflag:s25], $0xA00  }
0x5a: {  	[sflag:s25] =	ssyncset.done $0x0  }
0x5b: {  	[sflag:s25] =	ssyncadd.s32 $0xFFFFF600  }
0x5c: {  	[spmem:s20] =	stream.linear.scatter [tilespmem:s26], [sflag:$0x2], $0xA00, $0x38;
	[tilespmem:$0x1AEA0] =	vst v63  }
0x5d: {  	_ =	swait.ge [sflag:s25], $0xA00  }
0x5e: {  	[sflag:s25] =	ssyncset.done $0x0  }
0x5f: {  	[sflag:s25] =	ssyncadd.s32 $0xFFFFF600  }
0x60: {  	s5 =	simm.s32 $0x0;
	s0 =	simm.s32 $0x0;
	[bflag:$0x0] =	sbarrier.arrive $0xFFFF  }
.LBB2_8:
0x61: {  	s9 =	smul.u32 $0x7D0, s5;
	_ =	sdelay $0x1  }
0x62: {  	s9 =	sadd.s32 s9, s13  }
0x63: {  	s9 =	sshrl.u32 s9, $0x3  }
0x64: {  	s10 =	sadd.s32 s6, s9  }
0x65: {  	[tilespmem:s0], [sflag:$0x2] =	stream.linear.gather [hbm4b:s10+s0], $0x7D0, $0x38;
	[tilespmem:$0x1AEA0] =	vst v63  }
0x66: {  	_ =	swait.ge [sflag:s25], $0x7D0  }
0x67: {  	[sflag:s25] =	ssyncset.done $0x0  }
0x68: {  	s9 =	sadd.s32 s7, s9;
	[sflag:s25] =	ssyncadd.s32 $0xFFFFF830  }
0x69: {  	[tilespmem:s28], [sflag:$0x2] =	stream.linear.gather [hbm4b:s9+s0], $0x7D0, $0x38;
	[tilespmem:$0x1AEA0] =	vst v63  }
0x6a: {  	_ =	swait.ge [sflag:s25], $0x7D0  }
0x6b: {  	[sflag:s25] =	ssyncset.done $0x0  }
0x6c: {  	s11 =	simm.s32 $0x0;
	[sflag:s25] =	ssyncadd.s32 $0xFFFFF830  }
0x6d: {  	[tilespmem:s23], [sflag:$0x1] =	stream.indirect.gather [hbm4b:s1+s29], $0x80, s11, s29, $0xb8;
	[tilespmem:$0x1AEA0] =	vst v63  }
0x6e: {  	_ =	swait.ge [sflag:s30], $0x2800  }
0x6f: {  	[sflag:s30] =	ssyncset.done $0x0  }
0x70: {  	s12 =	simm.s32 $0x7D0;
	[sflag:s30] =	ssyncadd.s32 $0xFFFFD800  }
0x71: {  	[spmem:s2] =	stream.indirect.scatter.add.f32 [tilespmem:s23], [sflag:$0x2], $0x80, s12, s29, $0xb8;
	[tilespmem:$0x1AEA0] =	vst v63  }
0x72: {  	_ =	swait.ge [sflag:s25], $0x2800  }
0x73: {  	[sflag:s25] =	ssyncset.done $0x0  }
0x74: {  	[sflag:s25] =	ssyncadd.s32 $0xFFFFD800  }
0x75: {  	[spmem:s3] =	stream.indirect.scatter.add.f32 [tilespmem:s31], [sflag:$0x2], $0x10, s12, s29, $0xb8;
	[tilespmem:$0x1AEA0] =	vst v63  }
0x76: {  	_ =	swait.ge [sflag:s25], $0x500  }
0x77: {  	s10 =	simm.s32 $0x280;
	s9 =	simm.s32 $0x140;
	[sflag:s25] =	ssyncset.done $0x0  }
.LBB2_9:
0x78: {  	s11 =	sshra.s32 s9, $0x2  }
0x79: {  	[sflag:s25] =	ssyncadd.s32 $0xFFFFFB00;
	s9 =	smov.u32 s10;
	s12 =	sadd.s32 $0x140, s10  }
0x7a: {  	[tilespmem:s23], [sflag:$0x1] =	stream.indirect.gather [hbm4b:s1+s29], $0x80, s11, s29, $0xb8;
	[tilespmem:$0x1AEA0] =	vst v63  }
0x7b: {  	p0 =	sne.s32 s10, $0x1E00;
	_ =	swait.ge [sflag:s30], $0x2800  }
0x7c: {  	[sflag:s30] =	ssyncset.done $0x0  }
0x7d: {  	s10 =	sadd.s32 $0x7D0, s11;
	[sflag:s30] =	ssyncadd.s32 $0xFFFFD800  }
0x7e: {  	[spmem:s2] =	stream.indirect.scatter.add.f32 [tilespmem:s23], [sflag:$0x2], $0x80, s10, s29, $0xb8;
	[tilespmem:$0x1AEA0] =	vst v63  }
0x7f: {  	_ =	swait.ge [sflag:s25], $0x2800  }
.Ltmp3:
0x80: {  	[sflag:s25] =	ssyncset.done $0x0;
	(pc) =	sbr.rel @p0 .LBB2_9-.Ltmp3, $4  }
0x81: {  	[sflag:s25] =	ssyncadd.s32 $0xFFFFD800  }
0x82: {  	[spmem:s3] =	stream.indirect.scatter.add.f32 [tilespmem:s31], [sflag:$0x2], $0x10, s10, s29, $0xb8;
	[tilespmem:$0x1AEA0] =	vst v63  }
0x83: {  	_ =	swait.ge [sflag:s25], $0x500  }
0x84: {  	s10 =	smov.u32 s12;
	[sflag:s25] =	ssyncset.done $0x0  }
0x85: {  	s9 =	sshra.s32 s9, $0x2;
	[sflag:s25] =	ssyncadd.s32 $0xFFFFFB00  }
0x86: {  	[tilespmem:s23], [sflag:$0x1] =	stream.indirect.gather [hbm4b:s1+s29], $0x80, s9, s29, $0xb8;
	[tilespmem:$0x1AEA0] =	vst v63  }
0x87: {  	_ =	swait.ge [sflag:s30], $0x2800  }
0x88: {  	[sflag:s30] =	ssyncset.done $0x0  }
0x89: {  	s9 =	sadd.s32 $0x7D0, s9;
	[sflag:s30] =	ssyncadd.s32 $0xFFFFD800  }
0x8a: {  	[spmem:s2] =	stream.indirect.scatter.add.f32 [tilespmem:s23], [sflag:$0x2], $0x80, s9, s29, $0xb8;
	[tilespmem:$0x1AEA0] =	vst v63  }
0x8b: {  	s5 =	sadd.s32 $0x1, s5;
	_ =	swait.ge [sflag:s25], $0x2800  }
0x8c: {  	p0 =	sne.s32 s5, $0x5;
	[sflag:s25] =	ssyncset.done $0x0  }
.Ltmp4:
0x8d: {  	[sflag:s25] =	ssyncadd.s32 $0xFFFFD800;
	(pc) =	sbr.rel @p0 .LBB2_8-.Ltmp4, $4  }
0x8e: {  	[spmem:s3] =	stream.indirect.scatter.add.f32 [tilespmem:s31], [sflag:$0x2], $0x10, s9, s29, $0xb8;
	[tilespmem:$0x1AEA0] =	vst v63  }
0x8f: {  	_ =	swait.ge [sflag:s25], $0x500  }
0x90: {  	[sflag:s25] =	ssyncset.done $0x0  }
0x91: {  	[sflag:s25] =	ssyncadd.s32 $0xFFFFFB00  }
0x92: {  	s0 =	stileid.u32  }
0x93: {  	s0 =	sshll.u32 s0, $0x6  }
0x94: {  	[bflag:$0x0] =	sbarrier.arrive $0xFFFF;
	s5 =	sshrl.u32 s8, $0x3;
	s0 =	sor.u32 $0x1C02, s0  }
0x95: {  	[hbm:s22], [sflag:s0] =	dma.local [spmem:s5], $0x2800  }
0x96: {  	s4 =	sadd.s32 $0x1, s4;
	_ =	swait.ge [sflag:s25], $0x2800  }
0x97: {  	p0 =	sne.s32 s4, s21;
	[sflag:s25] =	ssyncset.done $0x0  }
.Ltmp5:
0x98: {  	s12 =	sshrl.u32 s17, $0x3;
	[sflag:s25] =	ssyncadd.s32 $0xFFFFD800;
	(pc) =	sbr.rel @p0 .LBB2_1-.Ltmp5, $4  }
0x99: {  	[hbm:s24], [sflag:s0] =	dma.local [spmem:s12], $0x500  }
0x9a: {  	_ =	swait.ge [sflag:s25], $0x500  }
0x9b: {  	[sflag:s25] =	ssyncset.done $0x0  }
0x9c: {  	[sflag:s25] =	ssyncadd.s32 $0xFFFFFB00  }
0x9d: {  	_ =	sfence.sel $0x180000  }
0x9e: {  	[bflag:$0x0] =	sbarrier.arrive $0xFFFF  }
0x9f: {  	_ =	strace $0x90000047  }
0xa0: {  	s0 =	stileid.u32;
	[bflag:$0x2] =	sbarrier.arrive $0xFFFF  }
0xa1: {  	p0 =	sne.s32 s0, $0x0;
	s0 =	rddreg [dreg:$0x5]  }
0xa2: {  	s0 =	sadd.s32 @!p0 $0x100000, s0  }
0xa3: {  	[sflag:s0] =	ssyncadd.tile.s32 @!p0 $0x1;
	_ =	shalt  }
.Lfunc_end2:
_tile_overlayer_lowered:
.L_overlay_start_2:
0xa4: {  	(tag) =	ssettag $0x2  }
0xa5: {  	s0 =	rddreg [dreg:$0x0];
	s2 =	stileid.u32  }
0xa6: {  	s1 =	rddreg [dreg:$0x1];
	p0 =	sne.s32 s2, $0x0  }
0xa7: {  	s3 =	rddreg [dreg:$0x2];
	[bflag:$0x3] =	sbarrier.arrive $0xFFFF;
	s2 =	simm.s32 @!p0 $0x1C02  }
0xa8: {  	[timem:s3], [sflag:s2] =	dma.local @!p0 [hbm:s0], s1  }
0xa9: {  	s0 =	simm.s32 @!p0 $0x2  }
0xaa: {  	_ =	swait.ge @!p0 [sflag:s0], s1  }
0xab: {  	s1 =	ssub.s32 @!p0 $0x0, s1;
	[sflag:s0] =	ssyncset.done @!p0 $0x0  }
0xac: {  	[sflag:s0] =	ssyncadd.s32 @!p0 s1  }
0xad: {  	[bflag:$0x3] =	sbarrier.arrive $0xFFFF  }
0xae: {  	_ =	shalt  }

</sc_bundles>
